<compile_context>
chip_gen: v7x
topology: tpu7x:2x2x1
jax: 0.10.2.dev20260603
libtpu: 0.0.44.dev20260713+nightly
codegen_flags: <defaults>
</compile_context>

<pallas_src>
import jax
import jax.numpy as jnp
from jax import lax
from jax.experimental import pallas as pl
from jax.experimental.pallas import tpu as pltpu
from jax.experimental.pallas import tpu_sc as plsc

B, V, K = 8, 2, 8192
H, W = 512, 512
HW = H * W
N = V * B * HW
KV = K // 16
SLAB = 64 * W
NSLAB = HW // 2 // SLAB
SENTINEL = 1 << 23
SROWS = 64

_mesh = plsc.VectorSubcoreMesh(core_axis_name="c", subcore_axis_name="s")

_GATHER_DNUMS = lax.GatherDimensionNumbers(
    offset_dims=(), collapsed_slice_dims=(0,), start_index_map=(0,)
)


def _dyn_gather(vec, idx):
    return lax.gather(
        vec,
        idx[:, None],
        dimension_numbers=_GATHER_DNUMS,
        slice_sizes=(1,),
        mode=lax.GatherScatterMode.PROMISE_IN_BOUNDS,
    )


ARENA = K + 16 * NSLAB + 16

_SCRATCH_TYPES = [
    pltpu.VMEM((K,), jnp.int32),
    pltpu.VMEM((K,), jnp.int32),
    pltpu.VMEM((K,), jnp.float32),
    pltpu.VMEM((K,), jnp.int32),
    pltpu.VMEM((ARENA,), jnp.int32),
    pltpu.VMEM((ARENA,), jnp.float32),
    pltpu.VMEM((ARENA,), jnp.float32),
    pltpu.VMEM((SROWS, W), jnp.float32),
    pltpu.VMEM((SROWS, W), jnp.float32),
    pltpu.SemaphoreType.DMA,
    pltpu.SemaphoreType.DMA,
    pltpu.SemaphoreType.DMA,
    pltpu.SemaphoreType.DMA,
]


def _fuse_body(x_hbm, y_hbm, z_hbm, in_hbm, out_hbm,
               xv, yv, zv, av, aa, za, vv, slab0, slab1, si0, si1, so0, so1):
    cid = lax.axis_index("c")
    sid = lax.axis_index("s")
    p = sid
    b = lax.rem(p, B)
    v = lax.div(p, B)
    blk = (b * V + v) * K

    row_base = cid * (H // 2)
    bufs = [slab0, slab1]
    isems = [si0, si1]
    osems = [so0, so1]

    ins = [None] * NSLAB
    outs = [None] * NSLAB
    for s in range(2):
        ins[s] = pltpu.async_copy(
            in_hbm.at[p, 0, pl.ds(row_base + s * SROWS, SROWS)],
            bufs[s], isems[s])

    pltpu.sync_copy(x_hbm.at[pl.ds(blk, K)], xv)
    pltpu.sync_copy(y_hbm.at[pl.ds(blk, K)], yv)
    pltpu.sync_copy(z_hbm.at[pl.ds(blk, K)], zv)

    lane = lax.iota(jnp.int32, 16)
    pnext = jnp.minimum(lane + 1, 15)
    rb0 = cid * NSLAB
    zero = jnp.int32(0)

    @plsc.parallel_loop(0, KV, unroll=4, carry=(zero, zero, zero, zero))
    def _prep(i, cnt):
        sl = pl.ds(i * 16, 16)
        l = yv[sl] * W + xv[sl]
        key = lax.shift_left(l, 4) | lane
        ks, zs = plsc.sort_key_val(key, zv[sl])
        a = lax.shift_right_logical(ks, 4)
        nxt = lax.shift_right_logical(_dyn_gather(ks, pnext), 4)
        dup = (nxt == a) & (lane < 15)
        a = jnp.where(dup, SENTINEL, a)
        av[sl] = a
        zv[sl] = 0.5 * (1.0 / zs)
        sb = lax.shift_right_logical(a, 15) - rb0
        return tuple(
            cnt[t] + jnp.sum((sb == t).astype(jnp.int32))
            for t in range(NSLAB))

    cnts = _prep
    offs = [zero] * NSLAB
    for t in range(1, NSLAB):
        offs[t] = lax.bitwise_and(offs[t - 1] + cnts[t - 1] + 15,
                                  jnp.int32(-16))

    sent16 = jnp.full((16,), SENTINEL, jnp.int32)
    for t in range(NSLAB):
        aa[pl.ds(offs[t] + cnts[t], 16)] = sent16

    def compress_body(i, off):
        sl = pl.ds(i * 16, 16)
        a = av[sl]
        zz = zv[sl]
        sb = lax.shift_right_logical(a, 15) - rb0
        new = []
        for t in range(NSLAB):
            m = sb == t
            plsc.store_compressed(aa.at[pl.ds(off[t], 16)], a, mask=m)
            plsc.store_compressed(za.at[pl.ds(off[t], 16)], zz, mask=m)
            new.append(off[t] + jnp.sum(m.astype(jnp.int32)))
        return tuple(new)

    ends = lax.fori_loop(0, KV, compress_body, tuple(offs))
    nvs = [lax.shift_right_logical(ends[t] - offs[t] + 15, 4)
           for t in range(NSLAB)]

    for s in range(NSLAB):
        cur = bufs[s % 2]
        row0 = row_base + s * SROWS
        off_s = offs[s]
        nv_s = nvs[s]
        ins[s].wait()

        def gather_body(j, carry, row0=row0, cur=cur, off_s=off_s):
            sl = pl.ds(off_s + j * 16, 16)
            a = aa[sl]
            lr = lax.shift_right_logical(a, 9) - row0
            m = (lr >= 0) & (lr < SROWS)
            lrc = jnp.where(m, lr, 0)
            col = lax.bitwise_and(a, W - 1)
            orig = plsc.load_gather(cur, [lrc, col], mask=m)
            vv[sl] = za[sl] + 0.5 * orig
            return carry

        lax.fori_loop(0, nv_s, gather_body, 0)

        def scatter_body(j, carry, row0=row0, cur=cur, off_s=off_s):
            sl = pl.ds(off_s + j * 16, 16)
            a = aa[sl]
            lr = lax.shift_right_logical(a, 9) - row0
            m = (lr >= 0) & (lr < SROWS)
            lrc = jnp.where(m, lr, 0)
            col = lax.bitwise_and(a, W - 1)
            plsc.store_scatter(cur, [lrc, col], vv[sl], mask=m)
            return carry

        lax.fori_loop(0, nv_s, scatter_body, 0)

        outs[s] = pltpu.async_copy(
            cur, out_hbm.at[p, 0, pl.ds(row0, SROWS)], osems[s % 2])
        if s + 2 < NSLAB:
            outs[s].wait()
            ins[s + 2] = pltpu.async_copy(
                in_hbm.at[p, 0, pl.ds(row_base + (s + 2) * SROWS, SROWS)],
                bufs[s % 2], isems[s % 2])

    for s in range(NSLAB - 2, NSLAB):
        outs[s].wait()


_fuse = pl.kernel(
    _fuse_body,
    out_type=jax.ShapeDtypeStruct((V * B, 1, H, W), jnp.float32),
    mesh=_mesh,
    scratch_types=_SCRATCH_TYPES,
    compiler_params=pltpu.CompilerParams(
        needs_layout_passes=False, use_tc_tiling_on_sc=True),
)


def kernel(mk_xy, mk_depth, fullres_disps):
    x = mk_xy[..., 0].reshape(-1)
    y = mk_xy[..., 1].reshape(-1)
    z = mk_depth.reshape(-1)
    return _fuse(x, y, z, fullres_disps)

# --- scband reference (transcript-rebuilt; emitter-appended) ---
"""Pipeline reference for scband-depth-predictor-multi-view-73744588472386 (READ-ONLY COPY).

The authoritative reference and input builder live on the scoring server;
editing this copy changes nothing except your own understanding.
"""

import jax, jax.numpy as jnp
import numpy as np

B, V, K = 8, 2, 8192
H, W = 512, 512
ALPHA = 0.5

def setup_inputs(seed: int = 0) -> dict:
    key = jax.random.key(seed)
    k1, k2, k3 = jax.random.split(key, 3)
    # matched keypoint integer pixel coordinates (x, y), in-range for a HxW map
    mk_xy = jax.random.randint(k1, (B, V, K, 2), 0, W, dtype=jnp.int32)
    # triangulated metric depth at each matched keypoint, strictly positive
    mk_depth = jax.random.uniform(k2, (B, V, K), dtype=jnp.float32) * 10.0 + 0.1
    # full-resolution disparity volume from the cost-volume head, layout (v*b, 1, h, w)
    fullres_disps = jax.random.uniform(k3, (V * B, 1, H, W), dtype=jnp.float32) * 0.9 + 0.05
    return {"mk_xy": mk_xy, "mk_depth": mk_depth, "fullres_disps": fullres_disps}

def reference(mk_xy, mk_depth, fullres_disps):
    # Faithful JAX translation of fusion_mkpt_costvolum with alpha-blending:
    #   rearrange '(v b) 1 h w -> b v h w', gather cost disparities at keypoints,
    #   blend with 1/depth, scatter-overwrite (index_put_), rearrange back.
    b, v, k = mk_depth.shape
    vb, _, h, w = fullres_disps.shape
    # '(v b) 1 h w -> b v h w'  (v is the outer dim of the flattened axis)
    disps = fullres_disps.reshape(v, b, h, w).transpose(1, 0, 2, 3)
    x = mk_xy[..., 0]
    y = mk_xy[..., 1]
    inv_z = 1.0 / mk_depth  # mk_z = 1 / depth
    bi = jnp.broadcast_to(jnp.arange(b).reshape(b, 1, 1), (b, v, k))
    vi = jnp.broadcast_to(jnp.arange(v).reshape(1, v, 1), (b, v, k))
    # gather existing cost-volume disparity at matched pixels
    cost_depth = disps[bi, vi, y, x]
    weight_depth = ALPHA * inv_z + (1.0 - ALPHA) * cost_depth
    # scatter-overwrite (torch index_put_ without accumulate)
    disps = disps.at[bi, vi, y, x].set(weight_depth)
    # 'b v h w -> (v b) 1 h w'
    out = disps.transpose(1, 0, 2, 3).reshape(v * b, 1, h, w)
    return out

if __name__ == "__main__":
    import jax
    _d = setup_inputs()
    print(jax.jit(kernel)(*tuple(_d.values())))

</pallas_src>

<mosaic_0001>
#map = affine_map<(d0, d1) -> (0)>
#map1 = affine_map<(d0, d1) -> (0, 0, 0, 0)>
module attributes {stable_mosaic.version = 14 : i64} {
  func.func @_fuse_body(%arg0: i32, %arg1: i32, %arg2: memref<131072xi32, #tpu.memory_space<hbm>>, %arg3: memref<131072xi32, #tpu.memory_space<hbm>>, %arg4: memref<131072xf32, #tpu.memory_space<hbm>>, %arg5: memref<16x1x512x512xf32, #tpu.memory_space<hbm>>, %arg6: memref<16x1x512x512xf32, #tpu.memory_space<hbm>>, %arg7: memref<8192xi32, #tpu.memory_space<vmem>>, %arg8: memref<8192xi32, #tpu.memory_space<vmem>>, %arg9: memref<8192xf32, #tpu.memory_space<vmem>>, %arg10: memref<8192xi32, #tpu.memory_space<vmem>>, %arg11: memref<8272xi32, #tpu.memory_space<vmem>>, %arg12: memref<8272xf32, #tpu.memory_space<vmem>>, %arg13: memref<8272xf32, #tpu.memory_space<vmem>>, %arg14: memref<64x512xf32, #tpu.memory_space<vmem>>, %arg15: memref<64x512xf32, #tpu.memory_space<vmem>>, %arg16: memref<!tpu.dma_semaphore, #tpu.memory_space<semaphore_mem>>, %arg17: memref<!tpu.dma_semaphore, #tpu.memory_space<semaphore_mem>>, %arg18: memref<!tpu.dma_semaphore, #tpu.memory_space<semaphore_mem>>, %arg19: memref<!tpu.dma_semaphore, #tpu.memory_space<semaphore_mem>>) attributes {dimension_semantics = [#tpu.dimension_semantics<core_parallel>, #tpu.dimension_semantics<subcore_parallel>], iteration_bounds = array<i64: 2, 16>, scalar_prefetch = 0 : i64, scratch_operands = 13 : i64, tpu.core_type = #tpu.core_type<sc_vector_subcore>, window_params = [{transform_indices = #map}, {transform_indices = #map}, {transform_indices = #map}, {transform_indices = #map1}, {transform_indices = #map1}]} {
    %rem3A = arith.constant 8 : i32
    %rem3A_0 = arith.remsi %arg1, %rem3A : i32
    %div3A = arith.constant 8 : i32
    %div3A_1 = arith.divsi %arg1, %div3A : i32
    %mul3A = arith.constant 2 : i32
    %mul3A_2 = arith.muli %rem3A_0, %mul3A : i32
    %add3A = arith.addi %mul3A_2, %div3A_1 : i32
    %mul3A_3 = arith.constant 8192 : i32
    %mul3A_4 = arith.muli %add3A, %mul3A_3 : i32
    %mul3A_5 = arith.constant 256 : i32
    %mul3A_6 = arith.muli %arg0, %mul3A_5 : i32
    %add3A_7 = arith.constant 0 : i32
    %add3A_8 = arith.addi %mul3A_6, %add3A_7 : i32
    %dma_start3A = arith.constant 0 : i32
    %dma_start3A_9 = arith.constant 0 : i32
    %dma_start3A_10 = tpu.memref_slice %arg5[%arg1, %dma_start3A, %add3A_8, %dma_start3A_9] : memref<16x1x512x512xf32, #tpu.memory_space<hbm>> -> memref<1x1x64x512xf32, #tpu.memory_space<hbm>>
    %dma_start3A_11 = tpu.memref_squeeze %dma_start3A_10 : memref<1x1x64x512xf32, #tpu.memory_space<hbm>> -> memref<64x512xf32, #tpu.memory_space<hbm>>
    %dma_start3A_12 = arith.constant 0 : i32
    %dma_start3A_13 = tpu.memref_slice %arg5[%arg1, %dma_start3A, %add3A_8, %dma_start3A_12] : memref<16x1x512x512xf32, #tpu.memory_space<hbm>> -> memref<1x1x64x512xf32, #tpu.memory_space<hbm>>
    %dma_start3A_14 = tpu.memref_squeeze %dma_start3A_13 : memref<1x1x64x512xf32, #tpu.memory_space<hbm>> -> memref<64x512xf32, #tpu.memory_space<hbm>>
    tpu.enqueue_dma source(%dma_start3A_14 : memref<64x512xf32, #tpu.memory_space<hbm>>) target(%arg14 : memref<64x512xf32, #tpu.memory_space<vmem>>) target_semaphore(%arg16 : memref<!tpu.dma_semaphore, #tpu.memory_space<semaphore_mem>>)
    %add3A_15 = arith.constant 64 : i32
    %add3A_16 = arith.addi %mul3A_6, %add3A_15 : i32
    %dma_start3A_17 = arith.constant 0 : i32
    %dma_start3A_18 = arith.constant 0 : i32
    %dma_start3A_19 = tpu.memref_slice %arg5[%arg1, %dma_start3A_17, %add3A_16, %dma_start3A_18] : memref<16x1x512x512xf32, #tpu.memory_space<hbm>> -> memref<1x1x64x512xf32, #tpu.memory_space<hbm>>
    %dma_start3A_20 = tpu.memref_squeeze %dma_start3A_19 : memref<1x1x64x512xf32, #tpu.memory_space<hbm>> -> memref<64x512xf32, #tpu.memory_space<hbm>>
    %dma_start3A_21 = arith.constant 0 : i32
    %dma_start3A_22 = tpu.memref_slice %arg5[%arg1, %dma_start3A_17, %add3A_16, %dma_start3A_21] : memref<16x1x512x512xf32, #tpu.memory_space<hbm>> -> memref<1x1x64x512xf32, #tpu.memory_space<hbm>>
    %dma_start3A_23 = tpu.memref_squeeze %dma_start3A_22 : memref<1x1x64x512xf32, #tpu.memory_space<hbm>> -> memref<64x512xf32, #tpu.memory_space<hbm>>
    tpu.enqueue_dma source(%dma_start3A_23 : memref<64x512xf32, #tpu.memory_space<hbm>>) target(%arg15 : memref<64x512xf32, #tpu.memory_space<vmem>>) target_semaphore(%arg17 : memref<!tpu.dma_semaphore, #tpu.memory_space<semaphore_mem>>)
    "tpu.region"() ({
      %run_scoped3A = tpu.sem_alloc : memref<!tpu.dma_semaphore, #tpu.memory_space<semaphore_mem>>
      %dma_start3A_281 = tpu.memref_slice %arg2[%mul3A_4] : memref<131072xi32, #tpu.memory_space<hbm>> -> memref<8192xi32, #tpu.memory_space<hbm>>
      %dma_start3A_282 = tpu.memref_slice %arg2[%mul3A_4] : memref<131072xi32, #tpu.memory_space<hbm>> -> memref<8192xi32, #tpu.memory_space<hbm>>
      tpu.enqueue_dma source(%dma_start3A_282 : memref<8192xi32, #tpu.memory_space<hbm>>) target(%arg7 : memref<8192xi32, #tpu.memory_space<vmem>>) target_semaphore(%run_scoped3A : memref<!tpu.dma_semaphore, #tpu.memory_space<semaphore_mem>>)
      %dma_wait3A_283 = tpu.memref_slice %arg2[%mul3A_4] : memref<131072xi32, #tpu.memory_space<hbm>> -> memref<8192xi32, #tpu.memory_space<hbm>>
      %dma_wait3A_284 = tpu.memref_slice %arg2[%mul3A_4] : memref<131072xi32, #tpu.memory_space<hbm>> -> memref<8192xi32, #tpu.memory_space<hbm>>
      tpu.wait_dma2 semaphore(%run_scoped3A : memref<!tpu.dma_semaphore, #tpu.memory_space<semaphore_mem>>) src(%dma_wait3A_284 : memref<8192xi32, #tpu.memory_space<hbm>>) dst(%arg7 : memref<8192xi32, #tpu.memory_space<vmem>>)
      tpu.yield
    }) : () -> ()
    "tpu.region"() ({
      %run_scoped3A = tpu.sem_alloc : memref<!tpu.dma_semaphore, #tpu.memory_space<semaphore_mem>>
      %dma_start3A_281 = tpu.memref_slice %arg3[%mul3A_4] : memref<131072xi32, #tpu.memory_space<hbm>> -> memref<8192xi32, #tpu.memory_space<hbm>>
      %dma_start3A_282 = tpu.memref_slice %arg3[%mul3A_4] : memref<131072xi32, #tpu.memory_space<hbm>> -> memref<8192xi32, #tpu.memory_space<hbm>>
      tpu.enqueue_dma source(%dma_start3A_282 : memref<8192xi32, #tpu.memory_space<hbm>>) target(%arg8 : memref<8192xi32, #tpu.memory_space<vmem>>) target_semaphore(%run_scoped3A : memref<!tpu.dma_semaphore, #tpu.memory_space<semaphore_mem>>)
      %dma_wait3A_283 = tpu.memref_slice %arg3[%mul3A_4] : memref<131072xi32, #tpu.memory_space<hbm>> -> memref<8192xi32, #tpu.memory_space<hbm>>
      %dma_wait3A_284 = tpu.memref_slice %arg3[%mul3A_4] : memref<131072xi32, #tpu.memory_space<hbm>> -> memref<8192xi32, #tpu.memory_space<hbm>>
      tpu.wait_dma2 semaphore(%run_scoped3A : memref<!tpu.dma_semaphore, #tpu.memory_space<semaphore_mem>>) src(%dma_wait3A_284 : memref<8192xi32, #tpu.memory_space<hbm>>) dst(%arg8 : memref<8192xi32, #tpu.memory_space<vmem>>)
      tpu.yield
    }) : () -> ()
    "tpu.region"() ({
      %run_scoped3A = tpu.sem_alloc : memref<!tpu.dma_semaphore, #tpu.memory_space<semaphore_mem>>
      %dma_start3A_281 = tpu.memref_slice %arg4[%mul3A_4] : memref<131072xf32, #tpu.memory_space<hbm>> -> memref<8192xf32, #tpu.memory_space<hbm>>
      %dma_start3A_282 = tpu.memref_slice %arg4[%mul3A_4] : memref<131072xf32, #tpu.memory_space<hbm>> -> memref<8192xf32, #tpu.memory_space<hbm>>
      tpu.enqueue_dma source(%dma_start3A_282 : memref<8192xf32, #tpu.memory_space<hbm>>) target(%arg9 : memref<8192xf32, #tpu.memory_space<vmem>>) target_semaphore(%run_scoped3A : memref<!tpu.dma_semaphore, #tpu.memory_space<semaphore_mem>>)
      %dma_wait3A_283 = tpu.memref_slice %arg4[%mul3A_4] : memref<131072xf32, #tpu.memory_space<hbm>> -> memref<8192xf32, #tpu.memory_space<hbm>>
      %dma_wait3A_284 = tpu.memref_slice %arg4[%mul3A_4] : memref<131072xf32, #tpu.memory_space<hbm>> -> memref<8192xf32, #tpu.memory_space<hbm>>
      tpu.wait_dma2 semaphore(%run_scoped3A : memref<!tpu.dma_semaphore, #tpu.memory_space<semaphore_mem>>) src(%dma_wait3A_284 : memref<8192xf32, #tpu.memory_space<hbm>>) dst(%arg9 : memref<8192xf32, #tpu.memory_space<vmem>>)
      tpu.yield
    }) : () -> ()
    %iota3A = tpu.iota {dimensions = array<i32: 0>} : vector<16xi32>
    %add3A_24 = arith.constant 1 : i32
    %add3A_25 = vector.broadcast %add3A_24 : i32 to vector<16xi32>
    %add3A_26 = arith.addi %iota3A, %add3A_25 : vector<16xi32>
    %min3A = arith.constant 15 : i32
    %min3A_27 = vector.broadcast %min3A : i32 to vector<16xi32>
    %min3A_28 = arith.minsi %add3A_26, %min3A_27 : vector<16xi32>
    %mul3A_29 = arith.constant 4 : i32
    %mul3A_30 = arith.muli %arg0, %mul3A_29 : i32
    %parallel_loop3A = arith.constant 0 : i32
    %parallel_loop3A_31 = arith.constant 512 : i32
    %parallel_loop3A_32 = arith.constant 1 : i32
    %parallel_loop3A_33 = arith.constant 0 : i32
    %parallel_loop3A_34 = arith.constant 0 : i32
    %parallel_loop3A_35 = arith.constant 0 : i32
    %parallel_loop3A_36 = arith.constant 0 : i32
    %parallel_loop3A_37:4 = scf.for %parallel_loop3A_281 = %parallel_loop3A to %parallel_loop3A_31 step %parallel_loop3A_32 iter_args(%parallel_loop3A_282 = %parallel_loop3A_33, %parallel_loop3A_283 = %parallel_loop3A_34, %parallel_loop3A_284 = %parallel_loop3A_35, %parallel_loop3A_285 = %parallel_loop3A_36) -> (i32, i32, i32, i32)  : i32 {
      %parallel_loop3A_286 = arith.constant 16 : i32
      %parallel_loop3A_287 = arith.muli %parallel_loop3A_281, %parallel_loop3A_286 : i32
      %parallel_loop3A_288 = arith.index_cast %parallel_loop3A_287 : i32 to index
      %parallel_loop3A_289 = tpu.vector_load %arg8[%parallel_loop3A_288] {strides = array<i32>} : memref<8192xi32, #tpu.memory_space<vmem>>, vector<16xi32>,
      %parallel_loop3A_290 = arith.constant 512 : i32
      %parallel_loop3A_291 = vector.broadcast %parallel_loop3A_290 : i32 to vector<16xi32>
      %parallel_loop3A_292 = arith.muli %parallel_loop3A_289, %parallel_loop3A_291 : vector<16xi32>
      %parallel_loop3A_293 = arith.index_cast %parallel_loop3A_287 : i32 to index
      %parallel_loop3A_294 = tpu.vector_load %arg7[%parallel_loop3A_293] {strides = array<i32>} : memref<8192xi32, #tpu.memory_space<vmem>>, vector<16xi32>,
      %parallel_loop3A_295 = arith.addi %parallel_loop3A_292, %parallel_loop3A_294 : vector<16xi32>
      %parallel_loop3A_296 = arith.constant 4 : i32
      %parallel_loop3A_297 = vector.broadcast %parallel_loop3A_296 : i32 to vector<16xi32>
      %parallel_loop3A_298 = arith.shli %parallel_loop3A_295, %parallel_loop3A_297 : vector<16xi32>
      %parallel_loop3A_299 = arith.ori %parallel_loop3A_298, %iota3A : vector<16xi32>
      %parallel_loop3A_300 = arith.index_cast %parallel_loop3A_287 : i32 to index
      %parallel_loop3A_301 = tpu.vector_load %arg9[%parallel_loop3A_300] {strides = array<i32>} : memref<8192xf32, #tpu.memory_space<vmem>>, vector<16xf32>,
      %parallel_loop3A_302 = arith.constant dense<true> : vector<16xi1>
      %parallel_loop3A_303 = arith.constant -2147483648 : i32
      %parallel_loop3A_304 = vector.broadcast %parallel_loop3A_303 : i32 to vector<16xi32>
      %parallel_loop3A_305 = arith.xori %parallel_loop3A_299, %parallel_loop3A_304 : vector<16xi32>
      %parallel_loop3A_306, %parallel_loop3A_307, %parallel_loop3A_308 = tpu.sort %parallel_loop3A_305, %parallel_loop3A_301 masked %parallel_loop3A_302 : (vector<16xi32>, vector<16xf32>, vector<16xi1>) -> (vector<16xi1>, vector<16xi32>, vector<16xf32>)
      %parallel_loop3A_309 = arith.xori %parallel_loop3A_307, %parallel_loop3A_304 : vector<16xi32>
      %parallel_loop3A_310 = arith.constant 4 : i32
      %parallel_loop3A_311 = vector.broadcast %parallel_loop3A_310 : i32 to vector<16xi32>
      %parallel_loop3A_312 = arith.shrui %parallel_loop3A_309, %parallel_loop3A_311 : vector<16xi32>
      %parallel_loop3A_313 = vector.shape_cast %min3A_28 : vector<16xi32> to vector<16x1xi32>
      %parallel_loop3A_314 = vector.shape_cast %parallel_loop3A_313 : vector<16x1xi32> to vector<16xi32>
      %parallel_loop3A_315 = tpu.dynamic_gather %parallel_loop3A_309[%parallel_loop3A_314] in [0] : vector<16xi32>, vector<16xi32> -> vector<16xi32>
      %parallel_loop3A_316 = arith.constant 4 : i32
      %parallel_loop3A_317 = vector.broadcast %parallel_loop3A_316 : i32 to vector<16xi32>
      %parallel_loop3A_318 = arith.shrui %parallel_loop3A_315, %parallel_loop3A_317 : vector<16xi32>
      %parallel_loop3A_319 = arith.cmpi eq, %parallel_loop3A_318, %parallel_loop3A_312 : vector<16xi32>
      %parallel_loop3A_320 = arith.constant 15 : i32
      %parallel_loop3A_321 = vector.broadcast %parallel_loop3A_320 : i32 to vector<16xi32>
      %parallel_loop3A_322 = arith.cmpi slt, %iota3A, %parallel_loop3A_321 : vector<16xi32>
      %parallel_loop3A_323 = arith.andi %parallel_loop3A_319, %parallel_loop3A_322 : vector<16xi1>
      %parallel_loop3A_324 = arith.constant 8388608 : i32
      %parallel_loop3A_325 = vector.broadcast %parallel_loop3A_324 : i32 to vector<16xi32>
      %parallel_loop3A_326 = arith.select %parallel_loop3A_323, %parallel_loop3A_325, %parallel_loop3A_312 : vector<16xi1>, vector<16xi32>
      %parallel_loop3A_327 = arith.index_cast %parallel_loop3A_287 : i32 to index
      %parallel_loop3A_328 = tpu.vector_load %arg10[%parallel_loop3A_327] {strides = array<i32>} : memref<8192xi32, #tpu.memory_space<vmem>>, vector<16xi32>,
      tpu.vector_store %arg10[%parallel_loop3A_327], %parallel_loop3A_326 {strides = array<i32>} : memref<8192xi32, #tpu.memory_space<vmem>>, vector<16xi32>,
      %parallel_loop3A_329 = arith.constant 1.000000e+00 : f32
      %parallel_loop3A_330 = vector.broadcast %parallel_loop3A_329 : f32 to vector<16xf32>
      %parallel_loop3A_331 = arith.divf %parallel_loop3A_330, %parallel_loop3A_308 : vector<16xf32>
      %parallel_loop3A_332 = arith.constant 5.000000e-01 : f32
      %parallel_loop3A_333 = vector.broadcast %parallel_loop3A_332 : f32 to vector<16xf32>
      %parallel_loop3A_334 = arith.mulf %parallel_loop3A_333, %parallel_loop3A_331 : vector<16xf32>
      %parallel_loop3A_335 = arith.index_cast %parallel_loop3A_287 : i32 to index
      %parallel_loop3A_336 = tpu.vector_load %arg9[%parallel_loop3A_335] {strides = array<i32>} : memref<8192xf32, #tpu.memory_space<vmem>>, vector<16xf32>,
      tpu.vector_store %arg9[%parallel_loop3A_335], %parallel_loop3A_334 {strides = array<i32>} : memref<8192xf32, #tpu.memory_space<vmem>>, vector<16xf32>,
      %parallel_loop3A_337 = arith.constant 15 : i32
      %parallel_loop3A_338 = vector.broadcast %parallel_loop3A_337 : i32 to vector<16xi32>
      %parallel_loop3A_339 = arith.shrui %parallel_loop3A_326, %parallel_loop3A_338 : vector<16xi32>
      %parallel_loop3A_340 = vector.broadcast %mul3A_30 : i32 to vector<16xi32>
      %parallel_loop3A_341 = arith.subi %parallel_loop3A_339, %parallel_loop3A_340 : vector<16xi32>
      %parallel_loop3A_342 = arith.constant 0 : i32
      %parallel_loop3A_343 = vector.broadcast %parallel_loop3A_342 : i32 to vector<16xi32>
      %parallel_loop3A_344 = arith.cmpi eq, %parallel_loop3A_341, %parallel_loop3A_343 : vector<16xi32>
      %parallel_loop3A_345 = arith.extui %parallel_loop3A_344 : vector<16xi1> to vector<16xi32>
      %parallel_loop3A_346 = arith.constant true
      %parallel_loop3A_347 = vector.broadcast %parallel_loop3A_346 : i1 to vector<16xi1>
      %parallel_loop3A_348 = tpu.scan <sum>, %parallel_loop3A_345 masked %parallel_loop3A_347 : vector<16xi32>, vector<16xi1> -> vector<16xi32>
      %parallel_loop3A_349 = vector.extract %parallel_loop3A_348[15] : i32 from vector<16xi32>
      %parallel_loop3A_350 = arith.addi %parallel_loop3A_282, %parallel_loop3A_349 : i32
      %parallel_loop3A_351 = arith.constant 1 : i32
      %parallel_loop3A_352 = vector.broadcast %parallel_loop3A_351 : i32 to vector<16xi32>
      %parallel_loop3A_353 = arith.cmpi eq, %parallel_loop3A_341, %parallel_loop3A_352 : vector<16xi32>
      %parallel_loop3A_354 = arith.extui %parallel_loop3A_353 : vector<16xi1> to vector<16xi32>
      %parallel_loop3A_355 = arith.constant true
      %parallel_loop3A_356 = vector.broadcast %parallel_loop3A_355 : i1 to vector<16xi1>
      %parallel_loop3A_357 = tpu.scan <sum>, %parallel_loop3A_354 masked %parallel_loop3A_356 : vector<16xi32>, vector<16xi1> -> vector<16xi32>
      %parallel_loop3A_358 = vector.extract %parallel_loop3A_357[15] : i32 from vector<16xi32>
      %parallel_loop3A_359 = arith.addi %parallel_loop3A_283, %parallel_loop3A_358 : i32
      %parallel_loop3A_360 = arith.constant 2 : i32
      %parallel_loop3A_361 = vector.broadcast %parallel_loop3A_360 : i32 to vector<16xi32>
      %parallel_loop3A_362 = arith.cmpi eq, %parallel_loop3A_341, %parallel_loop3A_361 : vector<16xi32>
      %parallel_loop3A_363 = arith.extui %parallel_loop3A_362 : vector<16xi1> to vector<16xi32>
      %parallel_loop3A_364 = arith.constant true
      %parallel_loop3A_365 = vector.broadcast %parallel_loop3A_364 : i1 to vector<16xi1>
      %parallel_loop3A_366 = tpu.scan <sum>, %parallel_loop3A_363 masked %parallel_loop3A_365 : vector<16xi32>, vector<16xi1> -> vector<16xi32>
      %parallel_loop3A_367 = vector.extract %parallel_loop3A_366[15] : i32 from vector<16xi32>
      %parallel_loop3A_368 = arith.addi %parallel_loop3A_284, %parallel_loop3A_367 : i32
      %parallel_loop3A_369 = arith.constant 3 : i32
      %parallel_loop3A_370 = vector.broadcast %parallel_loop3A_369 : i32 to vector<16xi32>
      %parallel_loop3A_371 = arith.cmpi eq, %parallel_loop3A_341, %parallel_loop3A_370 : vector<16xi32>
      %parallel_loop3A_372 = arith.extui %parallel_loop3A_371 : vector<16xi1> to vector<16xi32>
      %parallel_loop3A_373 = arith.constant true
      %parallel_loop3A_374 = vector.broadcast %parallel_loop3A_373 : i1 to vector<16xi1>
      %parallel_loop3A_375 = tpu.scan <sum>, %parallel_loop3A_372 masked %parallel_loop3A_374 : vector<16xi32>, vector<16xi1> -> vector<16xi32>
      %parallel_loop3A_376 = vector.extract %parallel_loop3A_375[15] : i32 from vector<16xi32>
      %parallel_loop3A_377 = arith.addi %parallel_loop3A_285, %parallel_loop3A_376 : i32
      scf.yield %parallel_loop3A_350, %parallel_loop3A_359, %parallel_loop3A_368, %parallel_loop3A_377 : i32, i32, i32, i32
    } {sc.loop_unroll_factor = 4 : i64, sc.parallel_access}
    %add3A_38 = arith.constant 0 : i32
    %add3A_39 = arith.addi %add3A_38, %parallel_loop3A_37#0 : i32
    %add3A_40 = arith.constant 15 : i32
    %add3A_41 = arith.addi %add3A_39, %add3A_40 : i32
    %and3A = arith.constant -16 : i32
    %and3A_42 = arith.andi %add3A_41, %and3A : i32
    %add3A_43 = arith.addi %and3A_42, %parallel_loop3A_37#1 : i32
    %add3A_44 = arith.constant 15 : i32
    %add3A_45 = arith.addi %add3A_43, %add3A_44 : i32
    %and3A_46 = arith.constant -16 : i32
    %and3A_47 = arith.andi %add3A_45, %and3A_46 : i32
    %add3A_48 = arith.addi %and3A_47, %parallel_loop3A_37#2 : i32
    %add3A_49 = arith.constant 15 : i32
    %add3A_50 = arith.addi %add3A_48, %add3A_49 : i32
    %and3A_51 = arith.constant -16 : i32
    %and3A_52 = arith.andi %add3A_50, %and3A_51 : i32
    %broadcast_in_dim3A = arith.constant 8388608 : i32
    %broadcast_in_dim3A_53 = vector.broadcast %broadcast_in_dim3A : i32 to vector<16xi32>
    %add3A_54 = arith.constant 0 : i32
    %add3A_55 = arith.addi %add3A_54, %parallel_loop3A_37#0 : i32
    %swap3A = arith.index_cast %add3A_55 : i32 to index
    %swap3A_56 = tpu.vector_load %arg11[%swap3A] {strides = array<i32>} : memref<8272xi32, #tpu.memory_space<vmem>>, vector<16xi32>,
    tpu.vector_store %arg11[%swap3A], %broadcast_in_dim3A_53 {strides = array<i32>} : memref<8272xi32, #tpu.memory_space<vmem>>, vector<16xi32>,
    %add3A_57 = arith.addi %and3A_42, %parallel_loop3A_37#1 : i32
    %swap3A_58 = arith.index_cast %add3A_57 : i32 to index
    %swap3A_59 = tpu.vector_load %arg11[%swap3A_58] {strides = array<i32>} : memref<8272xi32, #tpu.memory_space<vmem>>, vector<16xi32>,
    tpu.vector_store %arg11[%swap3A_58], %broadcast_in_dim3A_53 {strides = array<i32>} : memref<8272xi32, #tpu.memory_space<vmem>>, vector<16xi32>,
    %add3A_60 = arith.addi %and3A_47, %parallel_loop3A_37#2 : i32
    %swap3A_61 = arith.index_cast %add3A_60 : i32 to index
    %swap3A_62 = tpu.vector_load %arg11[%swap3A_61] {strides = array<i32>} : memref<8272xi32, #tpu.memory_space<vmem>>, vector<16xi32>,
    tpu.vector_store %arg11[%swap3A_61], %broadcast_in_dim3A_53 {strides = array<i32>} : memref<8272xi32, #tpu.memory_space<vmem>>, vector<16xi32>,
    %add3A_63 = arith.addi %and3A_52, %parallel_loop3A_37#3 : i32
    %swap3A_64 = arith.index_cast %add3A_63 : i32 to index
    %swap3A_65 = tpu.vector_load %arg11[%swap3A_64] {strides = array<i32>} : memref<8272xi32, #tpu.memory_space<vmem>>, vector<16xi32>,
    tpu.vector_store %arg11[%swap3A_64], %broadcast_in_dim3A_53 {strides = array<i32>} : memref<8272xi32, #tpu.memory_space<vmem>>, vector<16xi32>,
    %scan3A = arith.constant 0 : i32
    %scan3A_66 = arith.constant 0 : i32
    %scan3A_67 = arith.constant 512 : i32
    %scan3A_68 = arith.addi %scan3A_66, %scan3A_67 : i32
    %scan3A_69 = arith.constant 1 : i32
    %scan3A_70:4 = scf.for %scan3A_281 = %scan3A_66 to %scan3A_68 step %scan3A_69 iter_args(%scan3A_282 = %scan3A, %scan3A_283 = %and3A_42, %scan3A_284 = %and3A_47, %scan3A_285 = %and3A_52) -> (i32, i32, i32, i32)  : i32 {
      %mul3A_286 = arith.constant 16 : i32
      %mul3A_287 = arith.muli %scan3A_281, %mul3A_286 : i32
      %get3A = arith.index_cast %mul3A_287 : i32 to index
      %get3A_288 = tpu.vector_load %arg10[%get3A] {strides = array<i32>} : memref<8192xi32, #tpu.memory_space<vmem>>, vector<16xi32>,
      %get3A_289 = arith.index_cast %mul3A_287 : i32 to index
      %get3A_290 = tpu.vector_load %arg9[%get3A_289] {strides = array<i32>} : memref<8192xf32, #tpu.memory_space<vmem>>, vector<16xf32>,
      %shift_right_logical3A_291 = arith.constant 15 : i32
      %shift_right_logical3A_292 = vector.broadcast %shift_right_logical3A_291 : i32 to vector<16xi32>
      %shift_right_logical3A_293 = arith.shrui %get3A_288, %shift_right_logical3A_292 : vector<16xi32>
      %sub3A_294 = vector.broadcast %mul3A_30 : i32 to vector<16xi32>
      %sub3A_295 = arith.subi %shift_right_logical3A_293, %sub3A_294 : vector<16xi32>
      %eq3A = arith.constant 0 : i32
      %eq3A_296 = vector.broadcast %eq3A : i32 to vector<16xi32>
      %eq3A_297 = arith.cmpi eq, %sub3A_295, %eq3A_296 : vector<16xi32>
      %swap3A_298 = arith.index_cast %scan3A_282 : i32 to index
      %swap3A_299 = tpu.vector_load %arg11[%swap3A_298] masked %eq3A_297 {strides = array<i32>} : memref<8272xi32, #tpu.memory_space<vmem>>, vector<16xi32>, vector<16xi1>
      tpu.vector_store %arg11[%swap3A_298], %get3A_288 masked %eq3A_297 {strides = array<i32>} : memref<8272xi32, #tpu.memory_space<vmem>>, vector<16xi32>, vector<16xi1>
      %swap3A_300 = arith.index_cast %scan3A_282 : i32 to index
      %swap3A_301 = tpu.vector_load %arg12[%swap3A_300] masked %eq3A_297 {strides = array<i32>} : memref<8272xf32, #tpu.memory_space<vmem>>, vector<16xf32>, vector<16xi1>
      tpu.vector_store %arg12[%swap3A_300], %get3A_290 masked %eq3A_297 {strides = array<i32>} : memref<8272xf32, #tpu.memory_space<vmem>>, vector<16xf32>, vector<16xi1>
      %convert_element_type3A = arith.extui %eq3A_297 : vector<16xi1> to vector<16xi32>
      %reduce_sum3A = arith.constant true
      %reduce_sum3A_302 = vector.broadcast %reduce_sum3A : i1 to vector<16xi1>
      %reduce_sum3A_303 = tpu.scan <sum>, %convert_element_type3A masked %reduce_sum3A_302 : vector<16xi32>, vector<16xi1> -> vector<16xi32>
      %reduce_sum3A_304 = vector.extract %reduce_sum3A_303[15] : i32 from vector<16xi32>
      %add3A_305 = arith.addi %scan3A_282, %reduce_sum3A_304 : i32
      %eq3A_306 = arith.constant 1 : i32
      %eq3A_307 = vector.broadcast %eq3A_306 : i32 to vector<16xi32>
      %eq3A_308 = arith.cmpi eq, %sub3A_295, %eq3A_307 : vector<16xi32>
      %swap3A_309 = arith.index_cast %scan3A_283 : i32 to index
      %swap3A_310 = tpu.vector_load %arg11[%swap3A_309] masked %eq3A_308 {strides = array<i32>} : memref<8272xi32, #tpu.memory_space<vmem>>, vector<16xi32>, vector<16xi1>
      tpu.vector_store %arg11[%swap3A_309], %get3A_288 masked %eq3A_308 {strides = array<i32>} : memref<8272xi32, #tpu.memory_space<vmem>>, vector<16xi32>, vector<16xi1>
      %swap3A_311 = arith.index_cast %scan3A_283 : i32 to index
      %swap3A_312 = tpu.vector_load %arg12[%swap3A_311] masked %eq3A_308 {strides = array<i32>} : memref<8272xf32, #tpu.memory_space<vmem>>, vector<16xf32>, vector<16xi1>
      tpu.vector_store %arg12[%swap3A_311], %get3A_290 masked %eq3A_308 {strides = array<i32>} : memref<8272xf32, #tpu.memory_space<vmem>>, vector<16xf32>, vector<16xi1>
      %convert_element_type3A_313 = arith.extui %eq3A_308 : vector<16xi1> to vector<16xi32>
      %reduce_sum3A_314 = arith.constant true
      %reduce_sum3A_315 = vector.broadcast %reduce_sum3A_314 : i1 to vector<16xi1>
      %reduce_sum3A_316 = tpu.scan <sum>, %convert_element_type3A_313 masked %reduce_sum3A_315 : vector<16xi32>, vector<16xi1> -> vector<16xi32>
      %reduce_sum3A_317 = vector.extract %reduce_sum3A_316[15] : i32 from vector<16xi32>
      %add3A_318 = arith.addi %scan3A_283, %reduce_sum3A_317 : i32
      %eq3A_319 = arith.constant 2 : i32
      %eq3A_320 = vector.broadcast %eq3A_319 : i32 to vector<16xi32>
      %eq3A_321 = arith.cmpi eq, %sub3A_295, %eq3A_320 : vector<16xi32>
      %swap3A_322 = arith.index_cast %scan3A_284 : i32 to index
      %swap3A_323 = tpu.vector_load %arg11[%swap3A_322] masked %eq3A_321 {strides = array<i32>} : memref<8272xi32, #tpu.memory_space<vmem>>, vector<16xi32>, vector<16xi1>
      tpu.vector_store %arg11[%swap3A_322], %get3A_288 masked %eq3A_321 {strides = array<i32>} : memref<8272xi32, #tpu.memory_space<vmem>>, vector<16xi32>, vector<16xi1>
      %swap3A_324 = arith.index_cast %scan3A_284 : i32 to index
      %swap3A_325 = tpu.vector_load %arg12[%swap3A_324] masked %eq3A_321 {strides = array<i32>} : memref<8272xf32, #tpu.memory_space<vmem>>, vector<16xf32>, vector<16xi1>
      tpu.vector_store %arg12[%swap3A_324], %get3A_290 masked %eq3A_321 {strides = array<i32>} : memref<8272xf32, #tpu.memory_space<vmem>>, vector<16xf32>, vector<16xi1>
      %convert_element_type3A_326 = arith.extui %eq3A_321 : vector<16xi1> to vector<16xi32>
      %reduce_sum3A_327 = arith.constant true
      %reduce_sum3A_328 = vector.broadcast %reduce_sum3A_327 : i1 to vector<16xi1>
      %reduce_sum3A_329 = tpu.scan <sum>, %convert_element_type3A_326 masked %reduce_sum3A_328 : vector<16xi32>, vector<16xi1> -> vector<16xi32>
      %reduce_sum3A_330 = vector.extract %reduce_sum3A_329[15] : i32 from vector<16xi32>
      %add3A_331 = arith.addi %scan3A_284, %reduce_sum3A_330 : i32
      %eq3A_332 = arith.constant 3 : i32
      %eq3A_333 = vector.broadcast %eq3A_332 : i32 to vector<16xi32>
      %eq3A_334 = arith.cmpi eq, %sub3A_295, %eq3A_333 : vector<16xi32>
      %swap3A_335 = arith.index_cast %scan3A_285 : i32 to index
      %swap3A_336 = tpu.vector_load %arg11[%swap3A_335] masked %eq3A_334 {strides = array<i32>} : memref<8272xi32, #tpu.memory_space<vmem>>, vector<16xi32>, vector<16xi1>
      tpu.vector_store %arg11[%swap3A_335], %get3A_288 masked %eq3A_334 {strides = array<i32>} : memref<8272xi32, #tpu.memory_space<vmem>>, vector<16xi32>, vector<16xi1>
      %swap3A_337 = arith.index_cast %scan3A_285 : i32 to index
      %swap3A_338 = tpu.vector_load %arg12[%swap3A_337] masked %eq3A_334 {strides = array<i32>} : memref<8272xf32, #tpu.memory_space<vmem>>, vector<16xf32>, vector<16xi1>
      tpu.vector_store %arg12[%swap3A_337], %get3A_290 masked %eq3A_334 {strides = array<i32>} : memref<8272xf32, #tpu.memory_space<vmem>>, vector<16xf32>, vector<16xi1>
      %convert_element_type3A_339 = arith.extui %eq3A_334 : vector<16xi1> to vector<16xi32>
      %reduce_sum3A_340 = arith.constant true
      %reduce_sum3A_341 = vector.broadcast %reduce_sum3A_340 : i1 to vector<16xi1>
      %reduce_sum3A_342 = tpu.scan <sum>, %convert_element_type3A_339 masked %reduce_sum3A_341 : vector<16xi32>, vector<16xi1> -> vector<16xi32>
      %reduce_sum3A_343 = vector.extract %reduce_sum3A_342[15] : i32 from vector<16xi32>
      %add3A_344 = arith.addi %scan3A_285, %reduce_sum3A_343 : i32
      scf.yield %add3A_305, %add3A_318, %add3A_331, %add3A_344 : i32, i32, i32, i32
    }
    %scan3A_71 = arith.constant 512 : i32
    %sub3A = arith.constant 0 : i32
    %sub3A_72 = arith.subi %scan3A_70#0, %sub3A : i32
    %add3A_73 = arith.constant 15 : i32
    %add3A_74 = arith.addi %sub3A_72, %add3A_73 : i32
    %shift_right_logical3A = arith.constant 4 : i32
    %shift_right_logical3A_75 = arith.shrui %add3A_74, %shift_right_logical3A : i32
    %sub3A_76 = arith.subi %scan3A_70#1, %and3A_42 : i32
    %add3A_77 = arith.constant 15 : i32
    %add3A_78 = arith.addi %sub3A_76, %add3A_77 : i32
    %shift_right_logical3A_79 = arith.constant 4 : i32
    %shift_right_logical3A_80 = arith.shrui %add3A_78, %shift_right_logical3A_79 : i32
    %sub3A_81 = arith.subi %scan3A_70#2, %and3A_47 : i32
    %add3A_82 = arith.constant 15 : i32
    %add3A_83 = arith.addi %sub3A_81, %add3A_82 : i32
    %shift_right_logical3A_84 = arith.constant 4 : i32
    %shift_right_logical3A_85 = arith.shrui %add3A_83, %shift_right_logical3A_84 : i32
    %sub3A_86 = arith.subi %scan3A_70#3, %and3A_52 : i32
    %add3A_87 = arith.constant 15 : i32
    %add3A_88 = arith.addi %sub3A_86, %add3A_87 : i32
    %shift_right_logical3A_89 = arith.constant 4 : i32
    %shift_right_logical3A_90 = arith.shrui %add3A_88, %shift_right_logical3A_89 : i32
    %add3A_91 = arith.constant 0 : i32
    %add3A_92 = arith.addi %mul3A_6, %add3A_91 : i32
    %dma_wait3A = arith.constant 0 : i32
    %dma_wait3A_93 = arith.constant 0 : i32
    %dma_wait3A_94 = tpu.memref_slice %arg5[%arg1, %dma_wait3A, %add3A_8, %dma_wait3A_93] : memref<16x1x512x512xf32, #tpu.memory_space<hbm>> -> memref<1x1x64x512xf32, #tpu.memory_space<hbm>>
    %dma_wait3A_95 = tpu.memref_squeeze %dma_wait3A_94 : memref<1x1x64x512xf32, #tpu.memory_space<hbm>> -> memref<64x512xf32, #tpu.memory_space<hbm>>
    %dma_wait3A_96 = arith.constant 0 : i32
    %dma_wait3A_97 = tpu.memref_slice %arg5[%arg1, %dma_wait3A, %add3A_8, %dma_wait3A_96] : memref<16x1x512x512xf32, #tpu.memory_space<hbm>> -> memref<1x1x64x512xf32, #tpu.memory_space<hbm>>
    %dma_wait3A_98 = tpu.memref_squeeze %dma_wait3A_97 : memref<1x1x64x512xf32, #tpu.memory_space<hbm>> -> memref<64x512xf32, #tpu.memory_space<hbm>>
    tpu.wait_dma2 semaphore(%arg16 : memref<!tpu.dma_semaphore, #tpu.memory_space<semaphore_mem>>) src(%dma_wait3A_98 : memref<64x512xf32, #tpu.memory_space<hbm>>) dst(%arg14 : memref<64x512xf32, #tpu.memory_space<vmem>>)
    %while3A = arith.constant 0 : i32
    %while3A_99 = arith.constant 0 : i32
    %while3A_100 = arith.constant 0 : i32
    %while3A_101 = arith.subi %shift_right_logical3A_75, %while3A_100 : i32
    %while3A_102 = arith.addi %while3A_100, %while3A_101 : i32
    %while3A_103 = arith.constant 1 : i32
    %while3A_104 = arith.divsi %while3A_101, %while3A_103 : i32
    %while3A_105 = arith.muli %while3A_104, %while3A_103 : i32
    %while3A_106 = arith.addi %while3A_100, %while3A_105 : i32
    %while3A_107 = arith.constant 1 : i32
    scf.for %while3A_281 = %while3A_100 to %while3A_106 step %while3A_107  : i32 {
      %mul3A_282 = arith.constant 16 : i32
      %mul3A_283 = arith.muli %while3A_281, %mul3A_282 : i32
      %add3A_284 = arith.addi %while3A_99, %mul3A_283 : i32
      %get3A = arith.index_cast %add3A_284 : i32 to index
      %get3A_285 = tpu.vector_load %arg11[%get3A] {strides = array<i32>} : memref<8272xi32, #tpu.memory_space<vmem>>, vector<16xi32>,
      %shift_right_logical3A_286 = arith.constant 9 : i32
      %shift_right_logical3A_287 = vector.broadcast %shift_right_logical3A_286 : i32 to vector<16xi32>
      %shift_right_logical3A_288 = arith.shrui %get3A_285, %shift_right_logical3A_287 : vector<16xi32>
      %sub3A_289 = vector.broadcast %add3A_92 : i32 to vector<16xi32>
      %sub3A_290 = arith.subi %shift_right_logical3A_288, %sub3A_289 : vector<16xi32>
      %ge3A = arith.constant 0 : i32
      %ge3A_291 = vector.broadcast %ge3A : i32 to vector<16xi32>
      %ge3A_292 = arith.cmpi sge, %sub3A_290, %ge3A_291 : vector<16xi32>
      %lt3A = arith.constant 64 : i32
      %lt3A_293 = vector.broadcast %lt3A : i32 to vector<16xi32>
      %lt3A_294 = arith.cmpi slt, %sub3A_290, %lt3A_293 : vector<16xi32>
      %and3A_295 = arith.andi %ge3A_292, %lt3A_294 : vector<16xi1>
      %jit3A = arith.constant 0 : i32
      %broadcast_in_dim3A_296 = vector.broadcast %jit3A : i32 to vector<16xi32>
      %select_n3A = arith.select %and3A_295, %sub3A_290, %broadcast_in_dim3A_296 : vector<16xi1>, vector<16xi32>
      %and3A_297 = arith.constant 511 : i32
      %and3A_298 = vector.broadcast %and3A_297 : i32 to vector<16xi32>
      %and3A_299 = arith.andi %get3A_285, %and3A_298 : vector<16xi32>
      %gather3A = tpu.vector_load_idx %arg14[%select_n3A, %and3A_299] masked %and3A_295 : memref<64x512xf32, #tpu.memory_space<vmem>>[vector<16xi32>, vector<16xi32>], vector<16xf32>, vector<16xi1>
      %get3A_300 = arith.index_cast %add3A_284 : i32 to index
      %get3A_301 = tpu.vector_load %arg12[%get3A_300] {strides = array<i32>} : memref<8272xf32, #tpu.memory_space<vmem>>, vector<16xf32>,
      %mul3A_302 = arith.constant 5.000000e-01 : f32
      %mul3A_303 = vector.broadcast %mul3A_302 : f32 to vector<16xf32>
      %mul3A_304 = arith.mulf %mul3A_303, %gather3A : vector<16xf32>
      %add3A_305 = arith.addf %get3A_301, %mul3A_304 : vector<16xf32>
      %swap3A_306 = arith.index_cast %add3A_284 : i32 to index
      %swap3A_307 = tpu.vector_load %arg13[%swap3A_306] {strides = array<i32>} : memref<8272xf32, #tpu.memory_space<vmem>>, vector<16xf32>,
      tpu.vector_store %arg13[%swap3A_306], %add3A_305 {strides = array<i32>} : memref<8272xf32, #tpu.memory_space<vmem>>, vector<16xf32>,
    }
    %while3A_108 = arith.constant 1 : i32
    scf.for %while3A_281 = %while3A_106 to %while3A_102 step %while3A_108  : i32 {
      %mul3A_282 = arith.constant 16 : i32
      %mul3A_283 = arith.muli %while3A_281, %mul3A_282 : i32
      %add3A_284 = arith.addi %while3A_99, %mul3A_283 : i32
      %get3A = arith.index_cast %add3A_284 : i32 to index
      %get3A_285 = tpu.vector_load %arg11[%get3A] {strides = array<i32>} : memref<8272xi32, #tpu.memory_space<vmem>>, vector<16xi32>,
      %shift_right_logical3A_286 = arith.constant 9 : i32
      %shift_right_logical3A_287 = vector.broadcast %shift_right_logical3A_286 : i32 to vector<16xi32>
      %shift_right_logical3A_288 = arith.shrui %get3A_285, %shift_right_logical3A_287 : vector<16xi32>
      %sub3A_289 = vector.broadcast %add3A_92 : i32 to vector<16xi32>
      %sub3A_290 = arith.subi %shift_right_logical3A_288, %sub3A_289 : vector<16xi32>
      %ge3A = arith.constant 0 : i32
      %ge3A_291 = vector.broadcast %ge3A : i32 to vector<16xi32>
      %ge3A_292 = arith.cmpi sge, %sub3A_290, %ge3A_291 : vector<16xi32>
      %lt3A = arith.constant 64 : i32
      %lt3A_293 = vector.broadcast %lt3A : i32 to vector<16xi32>
      %lt3A_294 = arith.cmpi slt, %sub3A_290, %lt3A_293 : vector<16xi32>
      %and3A_295 = arith.andi %ge3A_292, %lt3A_294 : vector<16xi1>
      %jit3A = arith.constant 0 : i32
      %broadcast_in_dim3A_296 = vector.broadcast %jit3A : i32 to vector<16xi32>
      %select_n3A = arith.select %and3A_295, %sub3A_290, %broadcast_in_dim3A_296 : vector<16xi1>, vector<16xi32>
      %and3A_297 = arith.constant 511 : i32
      %and3A_298 = vector.broadcast %and3A_297 : i32 to vector<16xi32>
      %and3A_299 = arith.andi %get3A_285, %and3A_298 : vector<16xi32>
      %gather3A = tpu.vector_load_idx %arg14[%select_n3A, %and3A_299] masked %and3A_295 : memref<64x512xf32, #tpu.memory_space<vmem>>[vector<16xi32>, vector<16xi32>], vector<16xf32>, vector<16xi1>
      %get3A_300 = arith.index_cast %add3A_284 : i32 to index
      %get3A_301 = tpu.vector_load %arg12[%get3A_300] {strides = array<i32>} : memref<8272xf32, #tpu.memory_space<vmem>>, vector<16xf32>,
      %mul3A_302 = arith.constant 5.000000e-01 : f32
      %mul3A_303 = vector.broadcast %mul3A_302 : f32 to vector<16xf32>
      %mul3A_304 = arith.mulf %mul3A_303, %gather3A : vector<16xf32>
      %add3A_305 = arith.addf %get3A_301, %mul3A_304 : vector<16xf32>
      %swap3A_306 = arith.index_cast %add3A_284 : i32 to index
      %swap3A_307 = tpu.vector_load %arg13[%swap3A_306] {strides = array<i32>} : memref<8272xf32, #tpu.memory_space<vmem>>, vector<16xf32>,
      tpu.vector_store %arg13[%swap3A_306], %add3A_305 {strides = array<i32>} : memref<8272xf32, #tpu.memory_space<vmem>>, vector<16xf32>,
    }
    %while3A_109 = arith.constant 0 : i32
    %while3A_110 = arith.constant 0 : i32
    %while3A_111 = arith.constant 0 : i32
    %while3A_112 = arith.subi %shift_right_logical3A_75, %while3A_111 : i32
    %while3A_113 = arith.addi %while3A_111, %while3A_112 : i32
    %while3A_114 = arith.constant 1 : i32
    %while3A_115 = arith.divsi %while3A_112, %while3A_114 : i32
    %while3A_116 = arith.muli %while3A_115, %while3A_114 : i32
    %while3A_117 = arith.addi %while3A_111, %while3A_116 : i32
    %while3A_118 = arith.constant 1 : i32
    scf.for %while3A_281 = %while3A_111 to %while3A_117 step %while3A_118  : i32 {
      %mul3A_282 = arith.constant 16 : i32
      %mul3A_283 = arith.muli %while3A_281, %mul3A_282 : i32
      %add3A_284 = arith.addi %while3A_110, %mul3A_283 : i32
      %get3A = arith.index_cast %add3A_284 : i32 to index
      %get3A_285 = tpu.vector_load %arg11[%get3A] {strides = array<i32>} : memref<8272xi32, #tpu.memory_space<vmem>>, vector<16xi32>,
      %shift_right_logical3A_286 = arith.constant 9 : i32
      %shift_right_logical3A_287 = vector.broadcast %shift_right_logical3A_286 : i32 to vector<16xi32>
      %shift_right_logical3A_288 = arith.shrui %get3A_285, %shift_right_logical3A_287 : vector<16xi32>
      %sub3A_289 = vector.broadcast %add3A_92 : i32 to vector<16xi32>
      %sub3A_290 = arith.subi %shift_right_logical3A_288, %sub3A_289 : vector<16xi32>
      %ge3A = arith.constant 0 : i32
      %ge3A_291 = vector.broadcast %ge3A : i32 to vector<16xi32>
      %ge3A_292 = arith.cmpi sge, %sub3A_290, %ge3A_291 : vector<16xi32>
      %lt3A = arith.constant 64 : i32
      %lt3A_293 = vector.broadcast %lt3A : i32 to vector<16xi32>
      %lt3A_294 = arith.cmpi slt, %sub3A_290, %lt3A_293 : vector<16xi32>
      %and3A_295 = arith.andi %ge3A_292, %lt3A_294 : vector<16xi1>
      %jit3A = arith.constant 0 : i32
      %broadcast_in_dim3A_296 = vector.broadcast %jit3A : i32 to vector<16xi32>
      %select_n3A = arith.select %and3A_295, %sub3A_290, %broadcast_in_dim3A_296 : vector<16xi1>, vector<16xi32>
      %and3A_297 = arith.constant 511 : i32
      %and3A_298 = vector.broadcast %and3A_297 : i32 to vector<16xi32>
      %and3A_299 = arith.andi %get3A_285, %and3A_298 : vector<16xi32>
      %get3A_300 = arith.index_cast %add3A_284 : i32 to index
      %get3A_301 = tpu.vector_load %arg13[%get3A_300] {strides = array<i32>} : memref<8272xf32, #tpu.memory_space<vmem>>, vector<16xf32>,
      tpu.vector_store_idx %arg14[%select_n3A, %and3A_299], %get3A_301 masked %and3A_295 : memref<64x512xf32, #tpu.memory_space<vmem>>[vector<16xi32>, vector<16xi32>], vector<16xf32>, vector<16xi1>
    }
    %while3A_119 = arith.constant 1 : i32
    scf.for %while3A_281 = %while3A_117 to %while3A_113 step %while3A_119  : i32 {
      %mul3A_282 = arith.constant 16 : i32
      %mul3A_283 = arith.muli %while3A_281, %mul3A_282 : i32
      %add3A_284 = arith.addi %while3A_110, %mul3A_283 : i32
      %get3A = arith.index_cast %add3A_284 : i32 to index
      %get3A_285 = tpu.vector_load %arg11[%get3A] {strides = array<i32>} : memref<8272xi32, #tpu.memory_space<vmem>>, vector<16xi32>,
      %shift_right_logical3A_286 = arith.constant 9 : i32
      %shift_right_logical3A_287 = vector.broadcast %shift_right_logical3A_286 : i32 to vector<16xi32>
      %shift_right_logical3A_288 = arith.shrui %get3A_285, %shift_right_logical3A_287 : vector<16xi32>
      %sub3A_289 = vector.broadcast %add3A_92 : i32 to vector<16xi32>
      %sub3A_290 = arith.subi %shift_right_logical3A_288, %sub3A_289 : vector<16xi32>
      %ge3A = arith.constant 0 : i32
      %ge3A_291 = vector.broadcast %ge3A : i32 to vector<16xi32>
      %ge3A_292 = arith.cmpi sge, %sub3A_290, %ge3A_291 : vector<16xi32>
      %lt3A = arith.constant 64 : i32
      %lt3A_293 = vector.broadcast %lt3A : i32 to vector<16xi32>
      %lt3A_294 = arith.cmpi slt, %sub3A_290, %lt3A_293 : vector<16xi32>
      %and3A_295 = arith.andi %ge3A_292, %lt3A_294 : vector<16xi1>
      %jit3A = arith.constant 0 : i32
      %broadcast_in_dim3A_296 = vector.broadcast %jit3A : i32 to vector<16xi32>
      %select_n3A = arith.select %and3A_295, %sub3A_290, %broadcast_in_dim3A_296 : vector<16xi1>, vector<16xi32>
      %and3A_297 = arith.constant 511 : i32
      %and3A_298 = vector.broadcast %and3A_297 : i32 to vector<16xi32>
      %and3A_299 = arith.andi %get3A_285, %and3A_298 : vector<16xi32>
      %get3A_300 = arith.index_cast %add3A_284 : i32 to index
      %get3A_301 = tpu.vector_load %arg13[%get3A_300] {strides = array<i32>} : memref<8272xf32, #tpu.memory_space<vmem>>, vector<16xf32>,
      tpu.vector_store_idx %arg14[%select_n3A, %and3A_299], %get3A_301 masked %and3A_295 : memref<64x512xf32, #tpu.memory_space<vmem>>[vector<16xi32>, vector<16xi32>], vector<16xf32>, vector<16xi1>
    }
    %dma_start3A_120 = arith.constant 0 : i32
    %dma_start3A_121 = arith.constant 0 : i32
    %dma_start3A_122 = tpu.memref_slice %arg6[%arg1, %dma_start3A_120, %add3A_92, %dma_start3A_121] : memref<16x1x512x512xf32, #tpu.memory_space<hbm>> -> memref<1x1x64x512xf32, #tpu.memory_space<hbm>>
    %dma_start3A_123 = tpu.memref_squeeze %dma_start3A_122 : memref<1x1x64x512xf32, #tpu.memory_space<hbm>> -> memref<64x512xf32, #tpu.memory_space<hbm>>
    %dma_start3A_124 = arith.constant 0 : i32
    %dma_start3A_125 = tpu.memref_slice %arg6[%arg1, %dma_start3A_120, %add3A_92, %dma_start3A_124] : memref<16x1x512x512xf32, #tpu.memory_space<hbm>> -> memref<1x1x64x512xf32, #tpu.memory_space<hbm>>
    %dma_start3A_126 = tpu.memref_squeeze %dma_start3A_125 : memref<1x1x64x512xf32, #tpu.memory_space<hbm>> -> memref<64x512xf32, #tpu.memory_space<hbm>>
    tpu.enqueue_dma source(%arg14 : memref<64x512xf32, #tpu.memory_space<vmem>>) target(%dma_start3A_126 : memref<64x512xf32, #tpu.memory_space<hbm>>) target_semaphore(%arg18 : memref<!tpu.dma_semaphore, #tpu.memory_space<semaphore_mem>>)
    %dma_wait3A_127 = arith.constant 0 : i32
    %dma_wait3A_128 = arith.constant 0 : i32
    %dma_wait3A_129 = tpu.memref_slice %arg6[%arg1, %dma_wait3A_127, %add3A_92, %dma_wait3A_128] : memref<16x1x512x512xf32, #tpu.memory_space<hbm>> -> memref<1x1x64x512xf32, #tpu.memory_space<hbm>>
    %dma_wait3A_130 = tpu.memref_squeeze %dma_wait3A_129 : memref<1x1x64x512xf32, #tpu.memory_space<hbm>> -> memref<64x512xf32, #tpu.memory_space<hbm>>
    %dma_wait3A_131 = arith.constant 0 : i32
    %dma_wait3A_132 = tpu.memref_slice %arg6[%arg1, %dma_wait3A_127, %add3A_92, %dma_wait3A_131] : memref<16x1x512x512xf32, #tpu.memory_space<hbm>> -> memref<1x1x64x512xf32, #tpu.memory_space<hbm>>
    %dma_wait3A_133 = tpu.memref_squeeze %dma_wait3A_132 : memref<1x1x64x512xf32, #tpu.memory_space<hbm>> -> memref<64x512xf32, #tpu.memory_space<hbm>>
    tpu.wait_dma2 semaphore(%arg18 : memref<!tpu.dma_semaphore, #tpu.memory_space<semaphore_mem>>) src(%arg14 : memref<64x512xf32, #tpu.memory_space<vmem>>) dst(%dma_wait3A_133 : memref<64x512xf32, #tpu.memory_space<hbm>>)
    %add3A_134 = arith.constant 128 : i32
    %add3A_135 = arith.addi %mul3A_6, %add3A_134 : i32
    %dma_start3A_136 = arith.constant 0 : i32
    %dma_start3A_137 = arith.constant 0 : i32
    %dma_start3A_138 = tpu.memref_slice %arg5[%arg1, %dma_start3A_136, %add3A_135, %dma_start3A_137] : memref<16x1x512x512xf32, #tpu.memory_space<hbm>> -> memref<1x1x64x512xf32, #tpu.memory_space<hbm>>
    %dma_start3A_139 = tpu.memref_squeeze %dma_start3A_138 : memref<1x1x64x512xf32, #tpu.memory_space<hbm>> -> memref<64x512xf32, #tpu.memory_space<hbm>>
    %dma_start3A_140 = arith.constant 0 : i32
    %dma_start3A_141 = tpu.memref_slice %arg5[%arg1, %dma_start3A_136, %add3A_135, %dma_start3A_140] : memref<16x1x512x512xf32, #tpu.memory_space<hbm>> -> memref<1x1x64x512xf32, #tpu.memory_space<hbm>>
    %dma_start3A_142 = tpu.memref_squeeze %dma_start3A_141 : memref<1x1x64x512xf32, #tpu.memory_space<hbm>> -> memref<64x512xf32, #tpu.memory_space<hbm>>
    tpu.enqueue_dma source(%dma_start3A_142 : memref<64x512xf32, #tpu.memory_space<hbm>>) target(%arg14 : memref<64x512xf32, #tpu.memory_space<vmem>>) target_semaphore(%arg16 : memref<!tpu.dma_semaphore, #tpu.memory_space<semaphore_mem>>)
    %add3A_143 = arith.constant 64 : i32
    %add3A_144 = arith.addi %mul3A_6, %add3A_143 : i32
    %dma_wait3A_145 = arith.constant 0 : i32
    %dma_wait3A_146 = arith.constant 0 : i32
    %dma_wait3A_147 = tpu.memref_slice %arg5[%arg1, %dma_wait3A_145, %add3A_16, %dma_wait3A_146] : memref<16x1x512x512xf32, #tpu.memory_space<hbm>> -> memref<1x1x64x512xf32, #tpu.memory_space<hbm>>
    %dma_wait3A_148 = tpu.memref_squeeze %dma_wait3A_147 : memref<1x1x64x512xf32, #tpu.memory_space<hbm>> -> memref<64x512xf32, #tpu.memory_space<hbm>>
    %dma_wait3A_149 = arith.constant 0 : i32
    %dma_wait3A_150 = tpu.memref_slice %arg5[%arg1, %dma_wait3A_145, %add3A_16, %dma_wait3A_149] : memref<16x1x512x512xf32, #tpu.memory_space<hbm>> -> memref<1x1x64x512xf32, #tpu.memory_space<hbm>>
    %dma_wait3A_151 = tpu.memref_squeeze %dma_wait3A_150 : memref<1x1x64x512xf32, #tpu.memory_space<hbm>> -> memref<64x512xf32, #tpu.memory_space<hbm>>
    tpu.wait_dma2 semaphore(%arg17 : memref<!tpu.dma_semaphore, #tpu.memory_space<semaphore_mem>>) src(%dma_wait3A_151 : memref<64x512xf32, #tpu.memory_space<hbm>>) dst(%arg15 : memref<64x512xf32, #tpu.memory_space<vmem>>)
    %while3A_152 = arith.constant 0 : i32
    %while3A_153 = arith.constant 0 : i32
    %while3A_154 = arith.subi %shift_right_logical3A_80, %while3A_153 : i32
    %while3A_155 = arith.addi %while3A_153, %while3A_154 : i32
    %while3A_156 = arith.constant 1 : i32
    %while3A_157 = arith.divsi %while3A_154, %while3A_156 : i32
    %while3A_158 = arith.muli %while3A_157, %while3A_156 : i32
    %while3A_159 = arith.addi %while3A_153, %while3A_158 : i32
    %while3A_160 = arith.constant 1 : i32
    scf.for %while3A_281 = %while3A_153 to %while3A_159 step %while3A_160  : i32 {
      %mul3A_282 = arith.constant 16 : i32
      %mul3A_283 = arith.muli %while3A_281, %mul3A_282 : i32
      %add3A_284 = arith.addi %and3A_42, %mul3A_283 : i32
      %get3A = arith.index_cast %add3A_284 : i32 to index
      %get3A_285 = tpu.vector_load %arg11[%get3A] {strides = array<i32>} : memref<8272xi32, #tpu.memory_space<vmem>>, vector<16xi32>,
      %shift_right_logical3A_286 = arith.constant 9 : i32
      %shift_right_logical3A_287 = vector.broadcast %shift_right_logical3A_286 : i32 to vector<16xi32>
      %shift_right_logical3A_288 = arith.shrui %get3A_285, %shift_right_logical3A_287 : vector<16xi32>
      %sub3A_289 = vector.broadcast %add3A_144 : i32 to vector<16xi32>
      %sub3A_290 = arith.subi %shift_right_logical3A_288, %sub3A_289 : vector<16xi32>
      %ge3A = arith.constant 0 : i32
      %ge3A_291 = vector.broadcast %ge3A : i32 to vector<16xi32>
      %ge3A_292 = arith.cmpi sge, %sub3A_290, %ge3A_291 : vector<16xi32>
      %lt3A = arith.constant 64 : i32
      %lt3A_293 = vector.broadcast %lt3A : i32 to vector<16xi32>
      %lt3A_294 = arith.cmpi slt, %sub3A_290, %lt3A_293 : vector<16xi32>
      %and3A_295 = arith.andi %ge3A_292, %lt3A_294 : vector<16xi1>
      %jit3A = arith.constant 0 : i32
      %broadcast_in_dim3A_296 = vector.broadcast %jit3A : i32 to vector<16xi32>
      %select_n3A = arith.select %and3A_295, %sub3A_290, %broadcast_in_dim3A_296 : vector<16xi1>, vector<16xi32>
      %and3A_297 = arith.constant 511 : i32
      %and3A_298 = vector.broadcast %and3A_297 : i32 to vector<16xi32>
      %and3A_299 = arith.andi %get3A_285, %and3A_298 : vector<16xi32>
      %gather3A = tpu.vector_load_idx %arg15[%select_n3A, %and3A_299] masked %and3A_295 : memref<64x512xf32, #tpu.memory_space<vmem>>[vector<16xi32>, vector<16xi32>], vector<16xf32>, vector<16xi1>
      %get3A_300 = arith.index_cast %add3A_284 : i32 to index
      %get3A_301 = tpu.vector_load %arg12[%get3A_300] {strides = array<i32>} : memref<8272xf32, #tpu.memory_space<vmem>>, vector<16xf32>,
      %mul3A_302 = arith.constant 5.000000e-01 : f32
      %mul3A_303 = vector.broadcast %mul3A_302 : f32 to vector<16xf32>
      %mul3A_304 = arith.mulf %mul3A_303, %gather3A : vector<16xf32>
      %add3A_305 = arith.addf %get3A_301, %mul3A_304 : vector<16xf32>
      %swap3A_306 = arith.index_cast %add3A_284 : i32 to index
      %swap3A_307 = tpu.vector_load %arg13[%swap3A_306] {strides = array<i32>} : memref<8272xf32, #tpu.memory_space<vmem>>, vector<16xf32>,
      tpu.vector_store %arg13[%swap3A_306], %add3A_305 {strides = array<i32>} : memref<8272xf32, #tpu.memory_space<vmem>>, vector<16xf32>,
    }
    %while3A_161 = arith.constant 1 : i32
    scf.for %while3A_281 = %while3A_159 to %while3A_155 step %while3A_161  : i32 {
      %mul3A_282 = arith.constant 16 : i32
      %mul3A_283 = arith.muli %while3A_281, %mul3A_282 : i32
      %add3A_284 = arith.addi %and3A_42, %mul3A_283 : i32
      %get3A = arith.index_cast %add3A_284 : i32 to index
      %get3A_285 = tpu.vector_load %arg11[%get3A] {strides = array<i32>} : memref<8272xi32, #tpu.memory_space<vmem>>, vector<16xi32>,
      %shift_right_logical3A_286 = arith.constant 9 : i32
      %shift_right_logical3A_287 = vector.broadcast %shift_right_logical3A_286 : i32 to vector<16xi32>
      %shift_right_logical3A_288 = arith.shrui %get3A_285, %shift_right_logical3A_287 : vector<16xi32>
      %sub3A_289 = vector.broadcast %add3A_144 : i32 to vector<16xi32>
      %sub3A_290 = arith.subi %shift_right_logical3A_288, %sub3A_289 : vector<16xi32>
      %ge3A = arith.constant 0 : i32
      %ge3A_291 = vector.broadcast %ge3A : i32 to vector<16xi32>
      %ge3A_292 = arith.cmpi sge, %sub3A_290, %ge3A_291 : vector<16xi32>
      %lt3A = arith.constant 64 : i32
      %lt3A_293 = vector.broadcast %lt3A : i32 to vector<16xi32>
      %lt3A_294 = arith.cmpi slt, %sub3A_290, %lt3A_293 : vector<16xi32>
      %and3A_295 = arith.andi %ge3A_292, %lt3A_294 : vector<16xi1>
      %jit3A = arith.constant 0 : i32
      %broadcast_in_dim3A_296 = vector.broadcast %jit3A : i32 to vector<16xi32>
      %select_n3A = arith.select %and3A_295, %sub3A_290, %broadcast_in_dim3A_296 : vector<16xi1>, vector<16xi32>
      %and3A_297 = arith.constant 511 : i32
      %and3A_298 = vector.broadcast %and3A_297 : i32 to vector<16xi32>
      %and3A_299 = arith.andi %get3A_285, %and3A_298 : vector<16xi32>
      %gather3A = tpu.vector_load_idx %arg15[%select_n3A, %and3A_299] masked %and3A_295 : memref<64x512xf32, #tpu.memory_space<vmem>>[vector<16xi32>, vector<16xi32>], vector<16xf32>, vector<16xi1>
      %get3A_300 = arith.index_cast %add3A_284 : i32 to index
      %get3A_301 = tpu.vector_load %arg12[%get3A_300] {strides = array<i32>} : memref<8272xf32, #tpu.memory_space<vmem>>, vector<16xf32>,
      %mul3A_302 = arith.constant 5.000000e-01 : f32
      %mul3A_303 = vector.broadcast %mul3A_302 : f32 to vector<16xf32>
      %mul3A_304 = arith.mulf %mul3A_303, %gather3A : vector<16xf32>
      %add3A_305 = arith.addf %get3A_301, %mul3A_304 : vector<16xf32>
      %swap3A_306 = arith.index_cast %add3A_284 : i32 to index
      %swap3A_307 = tpu.vector_load %arg13[%swap3A_306] {strides = array<i32>} : memref<8272xf32, #tpu.memory_space<vmem>>, vector<16xf32>,
      tpu.vector_store %arg13[%swap3A_306], %add3A_305 {strides = array<i32>} : memref<8272xf32, #tpu.memory_space<vmem>>, vector<16xf32>,
    }
    %while3A_162 = arith.constant 0 : i32
    %while3A_163 = arith.constant 0 : i32
    %while3A_164 = arith.subi %shift_right_logical3A_80, %while3A_163 : i32
    %while3A_165 = arith.addi %while3A_163, %while3A_164 : i32
    %while3A_166 = arith.constant 1 : i32
    %while3A_167 = arith.divsi %while3A_164, %while3A_166 : i32
    %while3A_168 = arith.muli %while3A_167, %while3A_166 : i32
    %while3A_169 = arith.addi %while3A_163, %while3A_168 : i32
    %while3A_170 = arith.constant 1 : i32
    scf.for %while3A_281 = %while3A_163 to %while3A_169 step %while3A_170  : i32 {
      %mul3A_282 = arith.constant 16 : i32
      %mul3A_283 = arith.muli %while3A_281, %mul3A_282 : i32
      %add3A_284 = arith.addi %and3A_42, %mul3A_283 : i32
      %get3A = arith.index_cast %add3A_284 : i32 to index
      %get3A_285 = tpu.vector_load %arg11[%get3A] {strides = array<i32>} : memref<8272xi32, #tpu.memory_space<vmem>>, vector<16xi32>,
      %shift_right_logical3A_286 = arith.constant 9 : i32
      %shift_right_logical3A_287 = vector.broadcast %shift_right_logical3A_286 : i32 to vector<16xi32>
      %shift_right_logical3A_288 = arith.shrui %get3A_285, %shift_right_logical3A_287 : vector<16xi32>
      %sub3A_289 = vector.broadcast %add3A_144 : i32 to vector<16xi32>
      %sub3A_290 = arith.subi %shift_right_logical3A_288, %sub3A_289 : vector<16xi32>
      %ge3A = arith.constant 0 : i32
      %ge3A_291 = vector.broadcast %ge3A : i32 to vector<16xi32>
      %ge3A_292 = arith.cmpi sge, %sub3A_290, %ge3A_291 : vector<16xi32>
      %lt3A = arith.constant 64 : i32
      %lt3A_293 = vector.broadcast %lt3A : i32 to vector<16xi32>
      %lt3A_294 = arith.cmpi slt, %sub3A_290, %lt3A_293 : vector<16xi32>
      %and3A_295 = arith.andi %ge3A_292, %lt3A_294 : vector<16xi1>
      %jit3A = arith.constant 0 : i32
      %broadcast_in_dim3A_296 = vector.broadcast %jit3A : i32 to vector<16xi32>
      %select_n3A = arith.select %and3A_295, %sub3A_290, %broadcast_in_dim3A_296 : vector<16xi1>, vector<16xi32>
      %and3A_297 = arith.constant 511 : i32
      %and3A_298 = vector.broadcast %and3A_297 : i32 to vector<16xi32>
      %and3A_299 = arith.andi %get3A_285, %and3A_298 : vector<16xi32>
      %get3A_300 = arith.index_cast %add3A_284 : i32 to index
      %get3A_301 = tpu.vector_load %arg13[%get3A_300] {strides = array<i32>} : memref<8272xf32, #tpu.memory_space<vmem>>, vector<16xf32>,
      tpu.vector_store_idx %arg15[%select_n3A, %and3A_299], %get3A_301 masked %and3A_295 : memref<64x512xf32, #tpu.memory_space<vmem>>[vector<16xi32>, vector<16xi32>], vector<16xf32>, vector<16xi1>
    }
    %while3A_171 = arith.constant 1 : i32
    scf.for %while3A_281 = %while3A_169 to %while3A_165 step %while3A_171  : i32 {
      %mul3A_282 = arith.constant 16 : i32
      %mul3A_283 = arith.muli %while3A_281, %mul3A_282 : i32
      %add3A_284 = arith.addi %and3A_42, %mul3A_283 : i32
      %get3A = arith.index_cast %add3A_284 : i32 to index
      %get3A_285 = tpu.vector_load %arg11[%get3A] {strides = array<i32>} : memref<8272xi32, #tpu.memory_space<vmem>>, vector<16xi32>,
      %shift_right_logical3A_286 = arith.constant 9 : i32
      %shift_right_logical3A_287 = vector.broadcast %shift_right_logical3A_286 : i32 to vector<16xi32>
      %shift_right_logical3A_288 = arith.shrui %get3A_285, %shift_right_logical3A_287 : vector<16xi32>
      %sub3A_289 = vector.broadcast %add3A_144 : i32 to vector<16xi32>
      %sub3A_290 = arith.subi %shift_right_logical3A_288, %sub3A_289 : vector<16xi32>
      %ge3A = arith.constant 0 : i32
      %ge3A_291 = vector.broadcast %ge3A : i32 to vector<16xi32>
      %ge3A_292 = arith.cmpi sge, %sub3A_290, %ge3A_291 : vector<16xi32>
      %lt3A = arith.constant 64 : i32
      %lt3A_293 = vector.broadcast %lt3A : i32 to vector<16xi32>
      %lt3A_294 = arith.cmpi slt, %sub3A_290, %lt3A_293 : vector<16xi32>
      %and3A_295 = arith.andi %ge3A_292, %lt3A_294 : vector<16xi1>
      %jit3A = arith.constant 0 : i32
      %broadcast_in_dim3A_296 = vector.broadcast %jit3A : i32 to vector<16xi32>
      %select_n3A = arith.select %and3A_295, %sub3A_290, %broadcast_in_dim3A_296 : vector<16xi1>, vector<16xi32>
      %and3A_297 = arith.constant 511 : i32
      %and3A_298 = vector.broadcast %and3A_297 : i32 to vector<16xi32>
      %and3A_299 = arith.andi %get3A_285, %and3A_298 : vector<16xi32>
      %get3A_300 = arith.index_cast %add3A_284 : i32 to index
      %get3A_301 = tpu.vector_load %arg13[%get3A_300] {strides = array<i32>} : memref<8272xf32, #tpu.memory_space<vmem>>, vector<16xf32>,
      tpu.vector_store_idx %arg15[%select_n3A, %and3A_299], %get3A_301 masked %and3A_295 : memref<64x512xf32, #tpu.memory_space<vmem>>[vector<16xi32>, vector<16xi32>], vector<16xf32>, vector<16xi1>
    }
    %dma_start3A_172 = arith.constant 0 : i32
    %dma_start3A_173 = arith.constant 0 : i32
    %dma_start3A_174 = tpu.memref_slice %arg6[%arg1, %dma_start3A_172, %add3A_144, %dma_start3A_173] : memref<16x1x512x512xf32, #tpu.memory_space<hbm>> -> memref<1x1x64x512xf32, #tpu.memory_space<hbm>>
    %dma_start3A_175 = tpu.memref_squeeze %dma_start3A_174 : memref<1x1x64x512xf32, #tpu.memory_space<hbm>> -> memref<64x512xf32, #tpu.memory_space<hbm>>
    %dma_start3A_176 = arith.constant 0 : i32
    %dma_start3A_177 = tpu.memref_slice %arg6[%arg1, %dma_start3A_172, %add3A_144, %dma_start3A_176] : memref<16x1x512x512xf32, #tpu.memory_space<hbm>> -> memref<1x1x64x512xf32, #tpu.memory_space<hbm>>
    %dma_start3A_178 = tpu.memref_squeeze %dma_start3A_177 : memref<1x1x64x512xf32, #tpu.memory_space<hbm>> -> memref<64x512xf32, #tpu.memory_space<hbm>>
    tpu.enqueue_dma source(%arg15 : memref<64x512xf32, #tpu.memory_space<vmem>>) target(%dma_start3A_178 : memref<64x512xf32, #tpu.memory_space<hbm>>) target_semaphore(%arg19 : memref<!tpu.dma_semaphore, #tpu.memory_space<semaphore_mem>>)
    %dma_wait3A_179 = arith.constant 0 : i32
    %dma_wait3A_180 = arith.constant 0 : i32
    %dma_wait3A_181 = tpu.memref_slice %arg6[%arg1, %dma_wait3A_179, %add3A_144, %dma_wait3A_180] : memref<16x1x512x512xf32, #tpu.memory_space<hbm>> -> memref<1x1x64x512xf32, #tpu.memory_space<hbm>>
    %dma_wait3A_182 = tpu.memref_squeeze %dma_wait3A_181 : memref<1x1x64x512xf32, #tpu.memory_space<hbm>> -> memref<64x512xf32, #tpu.memory_space<hbm>>
    %dma_wait3A_183 = arith.constant 0 : i32
    %dma_wait3A_184 = tpu.memref_slice %arg6[%arg1, %dma_wait3A_179, %add3A_144, %dma_wait3A_183] : memref<16x1x512x512xf32, #tpu.memory_space<hbm>> -> memref<1x1x64x512xf32, #tpu.memory_space<hbm>>
    %dma_wait3A_185 = tpu.memref_squeeze %dma_wait3A_184 : memref<1x1x64x512xf32, #tpu.memory_space<hbm>> -> memref<64x512xf32, #tpu.memory_space<hbm>>
    tpu.wait_dma2 semaphore(%arg19 : memref<!tpu.dma_semaphore, #tpu.memory_space<semaphore_mem>>) src(%arg15 : memref<64x512xf32, #tpu.memory_space<vmem>>) dst(%dma_wait3A_185 : memref<64x512xf32, #tpu.memory_space<hbm>>)
    %add3A_186 = arith.constant 192 : i32
    %add3A_187 = arith.addi %mul3A_6, %add3A_186 : i32
    %dma_start3A_188 = arith.constant 0 : i32
    %dma_start3A_189 = arith.constant 0 : i32
    %dma_start3A_190 = tpu.memref_slice %arg5[%arg1, %dma_start3A_188, %add3A_187, %dma_start3A_189] : memref<16x1x512x512xf32, #tpu.memory_space<hbm>> -> memref<1x1x64x512xf32, #tpu.memory_space<hbm>>
    %dma_start3A_191 = tpu.memref_squeeze %dma_start3A_190 : memref<1x1x64x512xf32, #tpu.memory_space<hbm>> -> memref<64x512xf32, #tpu.memory_space<hbm>>
    %dma_start3A_192 = arith.constant 0 : i32
    %dma_start3A_193 = tpu.memref_slice %arg5[%arg1, %dma_start3A_188, %add3A_187, %dma_start3A_192] : memref<16x1x512x512xf32, #tpu.memory_space<hbm>> -> memref<1x1x64x512xf32, #tpu.memory_space<hbm>>
    %dma_start3A_194 = tpu.memref_squeeze %dma_start3A_193 : memref<1x1x64x512xf32, #tpu.memory_space<hbm>> -> memref<64x512xf32, #tpu.memory_space<hbm>>
    tpu.enqueue_dma source(%dma_start3A_194 : memref<64x512xf32, #tpu.memory_space<hbm>>) target(%arg15 : memref<64x512xf32, #tpu.memory_space<vmem>>) target_semaphore(%arg17 : memref<!tpu.dma_semaphore, #tpu.memory_space<semaphore_mem>>)
    %add3A_195 = arith.constant 128 : i32
    %add3A_196 = arith.addi %mul3A_6, %add3A_195 : i32
    %dma_wait3A_197 = arith.constant 0 : i32
    %dma_wait3A_198 = arith.constant 0 : i32
    %dma_wait3A_199 = tpu.memref_slice %arg5[%arg1, %dma_wait3A_197, %add3A_135, %dma_wait3A_198] : memref<16x1x512x512xf32, #tpu.memory_space<hbm>> -> memref<1x1x64x512xf32, #tpu.memory_space<hbm>>
    %dma_wait3A_200 = tpu.memref_squeeze %dma_wait3A_199 : memref<1x1x64x512xf32, #tpu.memory_space<hbm>> -> memref<64x512xf32, #tpu.memory_space<hbm>>
    %dma_wait3A_201 = arith.constant 0 : i32
    %dma_wait3A_202 = tpu.memref_slice %arg5[%arg1, %dma_wait3A_197, %add3A_135, %dma_wait3A_201] : memref<16x1x512x512xf32, #tpu.memory_space<hbm>> -> memref<1x1x64x512xf32, #tpu.memory_space<hbm>>
    %dma_wait3A_203 = tpu.memref_squeeze %dma_wait3A_202 : memref<1x1x64x512xf32, #tpu.memory_space<hbm>> -> memref<64x512xf32, #tpu.memory_space<hbm>>
    tpu.wait_dma2 semaphore(%arg16 : memref<!tpu.dma_semaphore, #tpu.memory_space<semaphore_mem>>) src(%dma_wait3A_203 : memref<64x512xf32, #tpu.memory_space<hbm>>) dst(%arg14 : memref<64x512xf32, #tpu.memory_space<vmem>>)
    %while3A_204 = arith.constant 0 : i32
    %while3A_205 = arith.constant 0 : i32
    %while3A_206 = arith.subi %shift_right_logical3A_85, %while3A_205 : i32
    %while3A_207 = arith.addi %while3A_205, %while3A_206 : i32
    %while3A_208 = arith.constant 1 : i32
    %while3A_209 = arith.divsi %while3A_206, %while3A_208 : i32
    %while3A_210 = arith.muli %while3A_209, %while3A_208 : i32
    %while3A_211 = arith.addi %while3A_205, %while3A_210 : i32
    %while3A_212 = arith.constant 1 : i32
    scf.for %while3A_281 = %while3A_205 to %while3A_211 step %while3A_212  : i32 {
      %mul3A_282 = arith.constant 16 : i32
      %mul3A_283 = arith.muli %while3A_281, %mul3A_282 : i32
      %add3A_284 = arith.addi %and3A_47, %mul3A_283 : i32
      %get3A = arith.index_cast %add3A_284 : i32 to index
      %get3A_285 = tpu.vector_load %arg11[%get3A] {strides = array<i32>} : memref<8272xi32, #tpu.memory_space<vmem>>, vector<16xi32>,
      %shift_right_logical3A_286 = arith.constant 9 : i32
      %shift_right_logical3A_287 = vector.broadcast %shift_right_logical3A_286 : i32 to vector<16xi32>
      %shift_right_logical3A_288 = arith.shrui %get3A_285, %shift_right_logical3A_287 : vector<16xi32>
      %sub3A_289 = vector.broadcast %add3A_196 : i32 to vector<16xi32>
      %sub3A_290 = arith.subi %shift_right_logical3A_288, %sub3A_289 : vector<16xi32>
      %ge3A = arith.constant 0 : i32
      %ge3A_291 = vector.broadcast %ge3A : i32 to vector<16xi32>
      %ge3A_292 = arith.cmpi sge, %sub3A_290, %ge3A_291 : vector<16xi32>
      %lt3A = arith.constant 64 : i32
      %lt3A_293 = vector.broadcast %lt3A : i32 to vector<16xi32>
      %lt3A_294 = arith.cmpi slt, %sub3A_290, %lt3A_293 : vector<16xi32>
      %and3A_295 = arith.andi %ge3A_292, %lt3A_294 : vector<16xi1>
      %jit3A = arith.constant 0 : i32
      %broadcast_in_dim3A_296 = vector.broadcast %jit3A : i32 to vector<16xi32>
      %select_n3A = arith.select %and3A_295, %sub3A_290, %broadcast_in_dim3A_296 : vector<16xi1>, vector<16xi32>
      %and3A_297 = arith.constant 511 : i32
      %and3A_298 = vector.broadcast %and3A_297 : i32 to vector<16xi32>
      %and3A_299 = arith.andi %get3A_285, %and3A_298 : vector<16xi32>
      %gather3A = tpu.vector_load_idx %arg14[%select_n3A, %and3A_299] masked %and3A_295 : memref<64x512xf32, #tpu.memory_space<vmem>>[vector<16xi32>, vector<16xi32>], vector<16xf32>, vector<16xi1>
      %get3A_300 = arith.index_cast %add3A_284 : i32 to index
      %get3A_301 = tpu.vector_load %arg12[%get3A_300] {strides = array<i32>} : memref<8272xf32, #tpu.memory_space<vmem>>, vector<16xf32>,
      %mul3A_302 = arith.constant 5.000000e-01 : f32
      %mul3A_303 = vector.broadcast %mul3A_302 : f32 to vector<16xf32>
      %mul3A_304 = arith.mulf %mul3A_303, %gather3A : vector<16xf32>
      %add3A_305 = arith.addf %get3A_301, %mul3A_304 : vector<16xf32>
      %swap3A_306 = arith.index_cast %add3A_284 : i32 to index
      %swap3A_307 = tpu.vector_load %arg13[%swap3A_306] {strides = array<i32>} : memref<8272xf32, #tpu.memory_space<vmem>>, vector<16xf32>,
      tpu.vector_store %arg13[%swap3A_306], %add3A_305 {strides = array<i32>} : memref<8272xf32, #tpu.memory_space<vmem>>, vector<16xf32>,
    }
    %while3A_213 = arith.constant 1 : i32
    scf.for %while3A_281 = %while3A_211 to %while3A_207 step %while3A_213  : i32 {
      %mul3A_282 = arith.constant 16 : i32
      %mul3A_283 = arith.muli %while3A_281, %mul3A_282 : i32
      %add3A_284 = arith.addi %and3A_47, %mul3A_283 : i32
      %get3A = arith.index_cast %add3A_284 : i32 to index
      %get3A_285 = tpu.vector_load %arg11[%get3A] {strides = array<i32>} : memref<8272xi32, #tpu.memory_space<vmem>>, vector<16xi32>,
      %shift_right_logical3A_286 = arith.constant 9 : i32
      %shift_right_logical3A_287 = vector.broadcast %shift_right_logical3A_286 : i32 to vector<16xi32>
      %shift_right_logical3A_288 = arith.shrui %get3A_285, %shift_right_logical3A_287 : vector<16xi32>
      %sub3A_289 = vector.broadcast %add3A_196 : i32 to vector<16xi32>
      %sub3A_290 = arith.subi %shift_right_logical3A_288, %sub3A_289 : vector<16xi32>
      %ge3A = arith.constant 0 : i32
      %ge3A_291 = vector.broadcast %ge3A : i32 to vector<16xi32>
      %ge3A_292 = arith.cmpi sge, %sub3A_290, %ge3A_291 : vector<16xi32>
      %lt3A = arith.constant 64 : i32
      %lt3A_293 = vector.broadcast %lt3A : i32 to vector<16xi32>
      %lt3A_294 = arith.cmpi slt, %sub3A_290, %lt3A_293 : vector<16xi32>
      %and3A_295 = arith.andi %ge3A_292, %lt3A_294 : vector<16xi1>
      %jit3A = arith.constant 0 : i32
      %broadcast_in_dim3A_296 = vector.broadcast %jit3A : i32 to vector<16xi32>
      %select_n3A = arith.select %and3A_295, %sub3A_290, %broadcast_in_dim3A_296 : vector<16xi1>, vector<16xi32>
      %and3A_297 = arith.constant 511 : i32
      %and3A_298 = vector.broadcast %and3A_297 : i32 to vector<16xi32>
      %and3A_299 = arith.andi %get3A_285, %and3A_298 : vector<16xi32>
      %gather3A = tpu.vector_load_idx %arg14[%select_n3A, %and3A_299] masked %and3A_295 : memref<64x512xf32, #tpu.memory_space<vmem>>[vector<16xi32>, vector<16xi32>], vector<16xf32>, vector<16xi1>
      %get3A_300 = arith.index_cast %add3A_284 : i32 to index
      %get3A_301 = tpu.vector_load %arg12[%get3A_300] {strides = array<i32>} : memref<8272xf32, #tpu.memory_space<vmem>>, vector<16xf32>,
      %mul3A_302 = arith.constant 5.000000e-01 : f32
      %mul3A_303 = vector.broadcast %mul3A_302 : f32 to vector<16xf32>
      %mul3A_304 = arith.mulf %mul3A_303, %gather3A : vector<16xf32>
      %add3A_305 = arith.addf %get3A_301, %mul3A_304 : vector<16xf32>
      %swap3A_306 = arith.index_cast %add3A_284 : i32 to index
      %swap3A_307 = tpu.vector_load %arg13[%swap3A_306] {strides = array<i32>} : memref<8272xf32, #tpu.memory_space<vmem>>, vector<16xf32>,
      tpu.vector_store %arg13[%swap3A_306], %add3A_305 {strides = array<i32>} : memref<8272xf32, #tpu.memory_space<vmem>>, vector<16xf32>,
    }
    %while3A_214 = arith.constant 0 : i32
    %while3A_215 = arith.constant 0 : i32
    %while3A_216 = arith.subi %shift_right_logical3A_85, %while3A_215 : i32
    %while3A_217 = arith.addi %while3A_215, %while3A_216 : i32
    %while3A_218 = arith.constant 1 : i32
    %while3A_219 = arith.divsi %while3A_216, %while3A_218 : i32
    %while3A_220 = arith.muli %while3A_219, %while3A_218 : i32
    %while3A_221 = arith.addi %while3A_215, %while3A_220 : i32
    %while3A_222 = arith.constant 1 : i32
    scf.for %while3A_281 = %while3A_215 to %while3A_221 step %while3A_222  : i32 {
      %mul3A_282 = arith.constant 16 : i32
      %mul3A_283 = arith.muli %while3A_281, %mul3A_282 : i32
      %add3A_284 = arith.addi %and3A_47, %mul3A_283 : i32
      %get3A = arith.index_cast %add3A_284 : i32 to index
      %get3A_285 = tpu.vector_load %arg11[%get3A] {strides = array<i32>} : memref<8272xi32, #tpu.memory_space<vmem>>, vector<16xi32>,
      %shift_right_logical3A_286 = arith.constant 9 : i32
      %shift_right_logical3A_287 = vector.broadcast %shift_right_logical3A_286 : i32 to vector<16xi32>
      %shift_right_logical3A_288 = arith.shrui %get3A_285, %shift_right_logical3A_287 : vector<16xi32>
      %sub3A_289 = vector.broadcast %add3A_196 : i32 to vector<16xi32>
      %sub3A_290 = arith.subi %shift_right_logical3A_288, %sub3A_289 : vector<16xi32>
      %ge3A = arith.constant 0 : i32
      %ge3A_291 = vector.broadcast %ge3A : i32 to vector<16xi32>
      %ge3A_292 = arith.cmpi sge, %sub3A_290, %ge3A_291 : vector<16xi32>
      %lt3A = arith.constant 64 : i32
      %lt3A_293 = vector.broadcast %lt3A : i32 to vector<16xi32>
      %lt3A_294 = arith.cmpi slt, %sub3A_290, %lt3A_293 : vector<16xi32>
      %and3A_295 = arith.andi %ge3A_292, %lt3A_294 : vector<16xi1>
      %jit3A = arith.constant 0 : i32
      %broadcast_in_dim3A_296 = vector.broadcast %jit3A : i32 to vector<16xi32>
      %select_n3A = arith.select %and3A_295, %sub3A_290, %broadcast_in_dim3A_296 : vector<16xi1>, vector<16xi32>
      %and3A_297 = arith.constant 511 : i32
      %and3A_298 = vector.broadcast %and3A_297 : i32 to vector<16xi32>
      %and3A_299 = arith.andi %get3A_285, %and3A_298 : vector<16xi32>
      %get3A_300 = arith.index_cast %add3A_284 : i32 to index
      %get3A_301 = tpu.vector_load %arg13[%get3A_300] {strides = array<i32>} : memref<8272xf32, #tpu.memory_space<vmem>>, vector<16xf32>,
      tpu.vector_store_idx %arg14[%select_n3A, %and3A_299], %get3A_301 masked %and3A_295 : memref<64x512xf32, #tpu.memory_space<vmem>>[vector<16xi32>, vector<16xi32>], vector<16xf32>, vector<16xi1>
    }
    %while3A_223 = arith.constant 1 : i32
    scf.for %while3A_281 = %while3A_221 to %while3A_217 step %while3A_223  : i32 {
      %mul3A_282 = arith.constant 16 : i32
      %mul3A_283 = arith.muli %while3A_281, %mul3A_282 : i32
      %add3A_284 = arith.addi %and3A_47, %mul3A_283 : i32
      %get3A = arith.index_cast %add3A_284 : i32 to index
      %get3A_285 = tpu.vector_load %arg11[%get3A] {strides = array<i32>} : memref<8272xi32, #tpu.memory_space<vmem>>, vector<16xi32>,
      %shift_right_logical3A_286 = arith.constant 9 : i32
      %shift_right_logical3A_287 = vector.broadcast %shift_right_logical3A_286 : i32 to vector<16xi32>
      %shift_right_logical3A_288 = arith.shrui %get3A_285, %shift_right_logical3A_287 : vector<16xi32>
      %sub3A_289 = vector.broadcast %add3A_196 : i32 to vector<16xi32>
      %sub3A_290 = arith.subi %shift_right_logical3A_288, %sub3A_289 : vector<16xi32>
      %ge3A = arith.constant 0 : i32
      %ge3A_291 = vector.broadcast %ge3A : i32 to vector<16xi32>
      %ge3A_292 = arith.cmpi sge, %sub3A_290, %ge3A_291 : vector<16xi32>
      %lt3A = arith.constant 64 : i32
      %lt3A_293 = vector.broadcast %lt3A : i32 to vector<16xi32>
      %lt3A_294 = arith.cmpi slt, %sub3A_290, %lt3A_293 : vector<16xi32>
      %and3A_295 = arith.andi %ge3A_292, %lt3A_294 : vector<16xi1>
      %jit3A = arith.constant 0 : i32
      %broadcast_in_dim3A_296 = vector.broadcast %jit3A : i32 to vector<16xi32>
      %select_n3A = arith.select %and3A_295, %sub3A_290, %broadcast_in_dim3A_296 : vector<16xi1>, vector<16xi32>
      %and3A_297 = arith.constant 511 : i32
      %and3A_298 = vector.broadcast %and3A_297 : i32 to vector<16xi32>
      %and3A_299 = arith.andi %get3A_285, %and3A_298 : vector<16xi32>
      %get3A_300 = arith.index_cast %add3A_284 : i32 to index
      %get3A_301 = tpu.vector_load %arg13[%get3A_300] {strides = array<i32>} : memref<8272xf32, #tpu.memory_space<vmem>>, vector<16xf32>,
      tpu.vector_store_idx %arg14[%select_n3A, %and3A_299], %get3A_301 masked %and3A_295 : memref<64x512xf32, #tpu.memory_space<vmem>>[vector<16xi32>, vector<16xi32>], vector<16xf32>, vector<16xi1>
    }
    %dma_start3A_224 = arith.constant 0 : i32
    %dma_start3A_225 = arith.constant 0 : i32
    %dma_start3A_226 = tpu.memref_slice %arg6[%arg1, %dma_start3A_224, %add3A_196, %dma_start3A_225] : memref<16x1x512x512xf32, #tpu.memory_space<hbm>> -> memref<1x1x64x512xf32, #tpu.memory_space<hbm>>
    %dma_start3A_227 = tpu.memref_squeeze %dma_start3A_226 : memref<1x1x64x512xf32, #tpu.memory_space<hbm>> -> memref<64x512xf32, #tpu.memory_space<hbm>>
    %dma_start3A_228 = arith.constant 0 : i32
    %dma_start3A_229 = tpu.memref_slice %arg6[%arg1, %dma_start3A_224, %add3A_196, %dma_start3A_228] : memref<16x1x512x512xf32, #tpu.memory_space<hbm>> -> memref<1x1x64x512xf32, #tpu.memory_space<hbm>>
    %dma_start3A_230 = tpu.memref_squeeze %dma_start3A_229 : memref<1x1x64x512xf32, #tpu.memory_space<hbm>> -> memref<64x512xf32, #tpu.memory_space<hbm>>
    tpu.enqueue_dma source(%arg14 : memref<64x512xf32, #tpu.memory_space<vmem>>) target(%dma_start3A_230 : memref<64x512xf32, #tpu.memory_space<hbm>>) target_semaphore(%arg18 : memref<!tpu.dma_semaphore, #tpu.memory_space<semaphore_mem>>)
    %add3A_231 = arith.constant 192 : i32
    %add3A_232 = arith.addi %mul3A_6, %add3A_231 : i32
    %dma_wait3A_233 = arith.constant 0 : i32
    %dma_wait3A_234 = arith.constant 0 : i32
    %dma_wait3A_235 = tpu.memref_slice %arg5[%arg1, %dma_wait3A_233, %add3A_187, %dma_wait3A_234] : memref<16x1x512x512xf32, #tpu.memory_space<hbm>> -> memref<1x1x64x512xf32, #tpu.memory_space<hbm>>
    %dma_wait3A_236 = tpu.memref_squeeze %dma_wait3A_235 : memref<1x1x64x512xf32, #tpu.memory_space<hbm>> -> memref<64x512xf32, #tpu.memory_space<hbm>>
    %dma_wait3A_237 = arith.constant 0 : i32
    %dma_wait3A_238 = tpu.memref_slice %arg5[%arg1, %dma_wait3A_233, %add3A_187, %dma_wait3A_237] : memref<16x1x512x512xf32, #tpu.memory_space<hbm>> -> memref<1x1x64x512xf32, #tpu.memory_space<hbm>>
    %dma_wait3A_239 = tpu.memref_squeeze %dma_wait3A_238 : memref<1x1x64x512xf32, #tpu.memory_space<hbm>> -> memref<64x512xf32, #tpu.memory_space<hbm>>
    tpu.wait_dma2 semaphore(%arg17 : memref<!tpu.dma_semaphore, #tpu.memory_space<semaphore_mem>>) src(%dma_wait3A_239 : memref<64x512xf32, #tpu.memory_space<hbm>>) dst(%arg15 : memref<64x512xf32, #tpu.memory_space<vmem>>)
    %while3A_240 = arith.constant 0 : i32
    %while3A_241 = arith.constant 0 : i32
    %while3A_242 = arith.subi %shift_right_logical3A_90, %while3A_241 : i32
    %while3A_243 = arith.addi %while3A_241, %while3A_242 : i32
    %while3A_244 = arith.constant 1 : i32
    %while3A_245 = arith.divsi %while3A_242, %while3A_244 : i32
    %while3A_246 = arith.muli %while3A_245, %while3A_244 : i32
    %while3A_247 = arith.addi %while3A_241, %while3A_246 : i32
    %while3A_248 = arith.constant 1 : i32
    scf.for %while3A_281 = %while3A_241 to %while3A_247 step %while3A_248  : i32 {
      %mul3A_282 = arith.constant 16 : i32
      %mul3A_283 = arith.muli %while3A_281, %mul3A_282 : i32
      %add3A_284 = arith.addi %and3A_52, %mul3A_283 : i32
      %get3A = arith.index_cast %add3A_284 : i32 to index
      %get3A_285 = tpu.vector_load %arg11[%get3A] {strides = array<i32>} : memref<8272xi32, #tpu.memory_space<vmem>>, vector<16xi32>,
      %shift_right_logical3A_286 = arith.constant 9 : i32
      %shift_right_logical3A_287 = vector.broadcast %shift_right_logical3A_286 : i32 to vector<16xi32>
      %shift_right_logical3A_288 = arith.shrui %get3A_285, %shift_right_logical3A_287 : vector<16xi32>
      %sub3A_289 = vector.broadcast %add3A_232 : i32 to vector<16xi32>
      %sub3A_290 = arith.subi %shift_right_logical3A_288, %sub3A_289 : vector<16xi32>
      %ge3A = arith.constant 0 : i32
      %ge3A_291 = vector.broadcast %ge3A : i32 to vector<16xi32>
      %ge3A_292 = arith.cmpi sge, %sub3A_290, %ge3A_291 : vector<16xi32>
      %lt3A = arith.constant 64 : i32
      %lt3A_293 = vector.broadcast %lt3A : i32 to vector<16xi32>
      %lt3A_294 = arith.cmpi slt, %sub3A_290, %lt3A_293 : vector<16xi32>
      %and3A_295 = arith.andi %ge3A_292, %lt3A_294 : vector<16xi1>
      %jit3A = arith.constant 0 : i32
      %broadcast_in_dim3A_296 = vector.broadcast %jit3A : i32 to vector<16xi32>
      %select_n3A = arith.select %and3A_295, %sub3A_290, %broadcast_in_dim3A_296 : vector<16xi1>, vector<16xi32>
      %and3A_297 = arith.constant 511 : i32
      %and3A_298 = vector.broadcast %and3A_297 : i32 to vector<16xi32>
      %and3A_299 = arith.andi %get3A_285, %and3A_298 : vector<16xi32>
      %gather3A = tpu.vector_load_idx %arg15[%select_n3A, %and3A_299] masked %and3A_295 : memref<64x512xf32, #tpu.memory_space<vmem>>[vector<16xi32>, vector<16xi32>], vector<16xf32>, vector<16xi1>
      %get3A_300 = arith.index_cast %add3A_284 : i32 to index
      %get3A_301 = tpu.vector_load %arg12[%get3A_300] {strides = array<i32>} : memref<8272xf32, #tpu.memory_space<vmem>>, vector<16xf32>,
      %mul3A_302 = arith.constant 5.000000e-01 : f32
      %mul3A_303 = vector.broadcast %mul3A_302 : f32 to vector<16xf32>
      %mul3A_304 = arith.mulf %mul3A_303, %gather3A : vector<16xf32>
      %add3A_305 = arith.addf %get3A_301, %mul3A_304 : vector<16xf32>
      %swap3A_306 = arith.index_cast %add3A_284 : i32 to index
      %swap3A_307 = tpu.vector_load %arg13[%swap3A_306] {strides = array<i32>} : memref<8272xf32, #tpu.memory_space<vmem>>, vector<16xf32>,
      tpu.vector_store %arg13[%swap3A_306], %add3A_305 {strides = array<i32>} : memref<8272xf32, #tpu.memory_space<vmem>>, vector<16xf32>,
    }
    %while3A_249 = arith.constant 1 : i32
    scf.for %while3A_281 = %while3A_247 to %while3A_243 step %while3A_249  : i32 {
      %mul3A_282 = arith.constant 16 : i32
      %mul3A_283 = arith.muli %while3A_281, %mul3A_282 : i32
      %add3A_284 = arith.addi %and3A_52, %mul3A_283 : i32
      %get3A = arith.index_cast %add3A_284 : i32 to index
      %get3A_285 = tpu.vector_load %arg11[%get3A] {strides = array<i32>} : memref<8272xi32, #tpu.memory_space<vmem>>, vector<16xi32>,
      %shift_right_logical3A_286 = arith.constant 9 : i32
      %shift_right_logical3A_287 = vector.broadcast %shift_right_logical3A_286 : i32 to vector<16xi32>
      %shift_right_logical3A_288 = arith.shrui %get3A_285, %shift_right_logical3A_287 : vector<16xi32>
      %sub3A_289 = vector.broadcast %add3A_232 : i32 to vector<16xi32>
      %sub3A_290 = arith.subi %shift_right_logical3A_288, %sub3A_289 : vector<16xi32>
      %ge3A = arith.constant 0 : i32
      %ge3A_291 = vector.broadcast %ge3A : i32 to vector<16xi32>
      %ge3A_292 = arith.cmpi sge, %sub3A_290, %ge3A_291 : vector<16xi32>
      %lt3A = arith.constant 64 : i32
      %lt3A_293 = vector.broadcast %lt3A : i32 to vector<16xi32>
      %lt3A_294 = arith.cmpi slt, %sub3A_290, %lt3A_293 : vector<16xi32>
      %and3A_295 = arith.andi %ge3A_292, %lt3A_294 : vector<16xi1>
      %jit3A = arith.constant 0 : i32
      %broadcast_in_dim3A_296 = vector.broadcast %jit3A : i32 to vector<16xi32>
      %select_n3A = arith.select %and3A_295, %sub3A_290, %broadcast_in_dim3A_296 : vector<16xi1>, vector<16xi32>
      %and3A_297 = arith.constant 511 : i32
      %and3A_298 = vector.broadcast %and3A_297 : i32 to vector<16xi32>
      %and3A_299 = arith.andi %get3A_285, %and3A_298 : vector<16xi32>
      %gather3A = tpu.vector_load_idx %arg15[%select_n3A, %and3A_299] masked %and3A_295 : memref<64x512xf32, #tpu.memory_space<vmem>>[vector<16xi32>, vector<16xi32>], vector<16xf32>, vector<16xi1>
      %get3A_300 = arith.index_cast %add3A_284 : i32 to index
      %get3A_301 = tpu.vector_load %arg12[%get3A_300] {strides = array<i32>} : memref<8272xf32, #tpu.memory_space<vmem>>, vector<16xf32>,
      %mul3A_302 = arith.constant 5.000000e-01 : f32
      %mul3A_303 = vector.broadcast %mul3A_302 : f32 to vector<16xf32>
      %mul3A_304 = arith.mulf %mul3A_303, %gather3A : vector<16xf32>
      %add3A_305 = arith.addf %get3A_301, %mul3A_304 : vector<16xf32>
      %swap3A_306 = arith.index_cast %add3A_284 : i32 to index
      %swap3A_307 = tpu.vector_load %arg13[%swap3A_306] {strides = array<i32>} : memref<8272xf32, #tpu.memory_space<vmem>>, vector<16xf32>,
      tpu.vector_store %arg13[%swap3A_306], %add3A_305 {strides = array<i32>} : memref<8272xf32, #tpu.memory_space<vmem>>, vector<16xf32>,
    }
    %while3A_250 = arith.constant 0 : i32
    %while3A_251 = arith.constant 0 : i32
    %while3A_252 = arith.subi %shift_right_logical3A_90, %while3A_251 : i32
    %while3A_253 = arith.addi %while3A_251, %while3A_252 : i32
    %while3A_254 = arith.constant 1 : i32
    %while3A_255 = arith.divsi %while3A_252, %while3A_254 : i32
    %while3A_256 = arith.muli %while3A_255, %while3A_254 : i32
    %while3A_257 = arith.addi %while3A_251, %while3A_256 : i32
    %while3A_258 = arith.constant 1 : i32
    scf.for %while3A_281 = %while3A_251 to %while3A_257 step %while3A_258  : i32 {
      %mul3A_282 = arith.constant 16 : i32
      %mul3A_283 = arith.muli %while3A_281, %mul3A_282 : i32
      %add3A_284 = arith.addi %and3A_52, %mul3A_283 : i32
      %get3A = arith.index_cast %add3A_284 : i32 to index
      %get3A_285 = tpu.vector_load %arg11[%get3A] {strides = array<i32>} : memref<8272xi32, #tpu.memory_space<vmem>>, vector<16xi32>,
      %shift_right_logical3A_286 = arith.constant 9 : i32
      %shift_right_logical3A_287 = vector.broadcast %shift_right_logical3A_286 : i32 to vector<16xi32>
      %shift_right_logical3A_288 = arith.shrui %get3A_285, %shift_right_logical3A_287 : vector<16xi32>
      %sub3A_289 = vector.broadcast %add3A_232 : i32 to vector<16xi32>
      %sub3A_290 = arith.subi %shift_right_logical3A_288, %sub3A_289 : vector<16xi32>
      %ge3A = arith.constant 0 : i32
      %ge3A_291 = vector.broadcast %ge3A : i32 to vector<16xi32>
      %ge3A_292 = arith.cmpi sge, %sub3A_290, %ge3A_291 : vector<16xi32>
      %lt3A = arith.constant 64 : i32
      %lt3A_293 = vector.broadcast %lt3A : i32 to vector<16xi32>
      %lt3A_294 = arith.cmpi slt, %sub3A_290, %lt3A_293 : vector<16xi32>
      %and3A_295 = arith.andi %ge3A_292, %lt3A_294 : vector<16xi1>
      %jit3A = arith.constant 0 : i32
      %broadcast_in_dim3A_296 = vector.broadcast %jit3A : i32 to vector<16xi32>
      %select_n3A = arith.select %and3A_295, %sub3A_290, %broadcast_in_dim3A_296 : vector<16xi1>, vector<16xi32>
      %and3A_297 = arith.constant 511 : i32
      %and3A_298 = vector.broadcast %and3A_297 : i32 to vector<16xi32>
      %and3A_299 = arith.andi %get3A_285, %and3A_298 : vector<16xi32>
      %get3A_300 = arith.index_cast %add3A_284 : i32 to index
      %get3A_301 = tpu.vector_load %arg13[%get3A_300] {strides = array<i32>} : memref<8272xf32, #tpu.memory_space<vmem>>, vector<16xf32>,
      tpu.vector_store_idx %arg15[%select_n3A, %and3A_299], %get3A_301 masked %and3A_295 : memref<64x512xf32, #tpu.memory_space<vmem>>[vector<16xi32>, vector<16xi32>], vector<16xf32>, vector<16xi1>
    }
    %while3A_259 = arith.constant 1 : i32
    scf.for %while3A_281 = %while3A_257 to %while3A_253 step %while3A_259  : i32 {
      %mul3A_282 = arith.constant 16 : i32
      %mul3A_283 = arith.muli %while3A_281, %mul3A_282 : i32
      %add3A_284 = arith.addi %and3A_52, %mul3A_283 : i32
      %get3A = arith.index_cast %add3A_284 : i32 to index
      %get3A_285 = tpu.vector_load %arg11[%get3A] {strides = array<i32>} : memref<8272xi32, #tpu.memory_space<vmem>>, vector<16xi32>,
      %shift_right_logical3A_286 = arith.constant 9 : i32
      %shift_right_logical3A_287 = vector.broadcast %shift_right_logical3A_286 : i32 to vector<16xi32>
      %shift_right_logical3A_288 = arith.shrui %get3A_285, %shift_right_logical3A_287 : vector<16xi32>
      %sub3A_289 = vector.broadcast %add3A_232 : i32 to vector<16xi32>
      %sub3A_290 = arith.subi %shift_right_logical3A_288, %sub3A_289 : vector<16xi32>
      %ge3A = arith.constant 0 : i32
      %ge3A_291 = vector.broadcast %ge3A : i32 to vector<16xi32>
      %ge3A_292 = arith.cmpi sge, %sub3A_290, %ge3A_291 : vector<16xi32>
      %lt3A = arith.constant 64 : i32
      %lt3A_293 = vector.broadcast %lt3A : i32 to vector<16xi32>
      %lt3A_294 = arith.cmpi slt, %sub3A_290, %lt3A_293 : vector<16xi32>
      %and3A_295 = arith.andi %ge3A_292, %lt3A_294 : vector<16xi1>
      %jit3A = arith.constant 0 : i32
      %broadcast_in_dim3A_296 = vector.broadcast %jit3A : i32 to vector<16xi32>
      %select_n3A = arith.select %and3A_295, %sub3A_290, %broadcast_in_dim3A_296 : vector<16xi1>, vector<16xi32>
      %and3A_297 = arith.constant 511 : i32
      %and3A_298 = vector.broadcast %and3A_297 : i32 to vector<16xi32>
      %and3A_299 = arith.andi %get3A_285, %and3A_298 : vector<16xi32>
      %get3A_300 = arith.index_cast %add3A_284 : i32 to index
      %get3A_301 = tpu.vector_load %arg13[%get3A_300] {strides = array<i32>} : memref<8272xf32, #tpu.memory_space<vmem>>, vector<16xf32>,
      tpu.vector_store_idx %arg15[%select_n3A, %and3A_299], %get3A_301 masked %and3A_295 : memref<64x512xf32, #tpu.memory_space<vmem>>[vector<16xi32>, vector<16xi32>], vector<16xf32>, vector<16xi1>
    }
    %dma_start3A_260 = arith.constant 0 : i32
    %dma_start3A_261 = arith.constant 0 : i32
    %dma_start3A_262 = tpu.memref_slice %arg6[%arg1, %dma_start3A_260, %add3A_232, %dma_start3A_261] : memref<16x1x512x512xf32, #tpu.memory_space<hbm>> -> memref<1x1x64x512xf32, #tpu.memory_space<hbm>>
    %dma_start3A_263 = tpu.memref_squeeze %dma_start3A_262 : memref<1x1x64x512xf32, #tpu.memory_space<hbm>> -> memref<64x512xf32, #tpu.memory_space<hbm>>
    %dma_start3A_264 = arith.constant 0 : i32
    %dma_start3A_265 = tpu.memref_slice %arg6[%arg1, %dma_start3A_260, %add3A_232, %dma_start3A_264] : memref<16x1x512x512xf32, #tpu.memory_space<hbm>> -> memref<1x1x64x512xf32, #tpu.memory_space<hbm>>
    %dma_start3A_266 = tpu.memref_squeeze %dma_start3A_265 : memref<1x1x64x512xf32, #tpu.memory_space<hbm>> -> memref<64x512xf32, #tpu.memory_space<hbm>>
    tpu.enqueue_dma source(%arg15 : memref<64x512xf32, #tpu.memory_space<vmem>>) target(%dma_start3A_266 : memref<64x512xf32, #tpu.memory_space<hbm>>) target_semaphore(%arg19 : memref<!tpu.dma_semaphore, #tpu.memory_space<semaphore_mem>>)
    %dma_wait3A_267 = arith.constant 0 : i32
    %dma_wait3A_268 = arith.constant 0 : i32
    %dma_wait3A_269 = tpu.memref_slice %arg6[%arg1, %dma_wait3A_267, %add3A_196, %dma_wait3A_268] : memref<16x1x512x512xf32, #tpu.memory_space<hbm>> -> memref<1x1x64x512xf32, #tpu.memory_space<hbm>>
    %dma_wait3A_270 = tpu.memref_squeeze %dma_wait3A_269 : memref<1x1x64x512xf32, #tpu.memory_space<hbm>> -> memref<64x512xf32, #tpu.memory_space<hbm>>
    %dma_wait3A_271 = arith.constant 0 : i32
    %dma_wait3A_272 = tpu.memref_slice %arg6[%arg1, %dma_wait3A_267, %add3A_196, %dma_wait3A_271] : memref<16x1x512x512xf32, #tpu.memory_space<hbm>> -> memref<1x1x64x512xf32, #tpu.memory_space<hbm>>
    %dma_wait3A_273 = tpu.memref_squeeze %dma_wait3A_272 : memref<1x1x64x512xf32, #tpu.memory_space<hbm>> -> memref<64x512xf32, #tpu.memory_space<hbm>>
    tpu.wait_dma2 semaphore(%arg18 : memref<!tpu.dma_semaphore, #tpu.memory_space<semaphore_mem>>) src(%arg14 : memref<64x512xf32, #tpu.memory_space<vmem>>) dst(%dma_wait3A_273 : memref<64x512xf32, #tpu.memory_space<hbm>>)
    %dma_wait3A_274 = arith.constant 0 : i32
    %dma_wait3A_275 = arith.constant 0 : i32
    %dma_wait3A_276 = tpu.memref_slice %arg6[%arg1, %dma_wait3A_274, %add3A_232, %dma_wait3A_275] : memref<16x1x512x512xf32, #tpu.memory_space<hbm>> -> memref<1x1x64x512xf32, #tpu.memory_space<hbm>>
    %dma_wait3A_277 = tpu.memref_squeeze %dma_wait3A_276 : memref<1x1x64x512xf32, #tpu.memory_space<hbm>> -> memref<64x512xf32, #tpu.memory_space<hbm>>
    %dma_wait3A_278 = arith.constant 0 : i32
    %dma_wait3A_279 = tpu.memref_slice %arg6[%arg1, %dma_wait3A_274, %add3A_232, %dma_wait3A_278] : memref<16x1x512x512xf32, #tpu.memory_space<hbm>> -> memref<1x1x64x512xf32, #tpu.memory_space<hbm>>
    %dma_wait3A_280 = tpu.memref_squeeze %dma_wait3A_279 : memref<1x1x64x512xf32, #tpu.memory_space<hbm>> -> memref<64x512xf32, #tpu.memory_space<hbm>>
    tpu.wait_dma2 semaphore(%arg19 : memref<!tpu.dma_semaphore, #tpu.memory_space<semaphore_mem>>) src(%arg15 : memref<64x512xf32, #tpu.memory_space<vmem>>) dst(%dma_wait3A_280 : memref<64x512xf32, #tpu.memory_space<hbm>>)
    return
  }
}

</mosaic_0001>

<sc_bundles>
// kernel: kernel.3.cloned.1.call-start
scs
__scs_entry_jumppad:
0x0: {  	(pc) =	sbr.rel $0x88, $3  }
0x1: {  	(tag) =	ssettag $0x0;
	lr =	simm.s32 $0x1  }
0x2: {  	[smem:$0x3F9E] =	sst lr;
	_ =	strace $0xD0000000  }
0x3: {  	_ = 	snop  }
0x4: {  	_ = 	snop  }
0x5: {  	_ = 	snop  }
0x6: {  	_ = 	snop  }
0x7: {  	_ = 	snop  }
__scs_overlays_trampoline_lowered:
0x8: {  	[smem:$0x3FAD] =	sst s0  }
0x9: {  	[smem:$0x3FAE] =	sst s1  }
0xa: {  	[smem:$0x3FAF] =	sst s2  }
0xb: {  	[smem:$0x3FB0] =	sst s3  }
0xc: {  	[smem:$0x3FB1] =	sst s4  }
0xd: {  	[smem:$0x3FB2] =	sst s5  }
0xe: {  	[smem:$0x3FB3] =	sst s6  }
0xf: {  	[smem:$0x3FB4] =	sst s7  }
0x10: {  	[smem:$0x3FB5] =	sst s8  }
0x11: {  	[smem:$0x3FB6] =	sst s9;
	s0 =	simm.s32 @!p0 $0x0  }
0x12: {  	s1 =	sld [smem:$0x3F9C];
	s0 =	simm.s32 @p0 $0x1  }
0x13: {  	[smem:$0x3FB7] =	sst s0;
	s0 =	simm.s32 @!p1 $0x0  }
0x14: {  	s2 =	sld [smem:$0x3F9B];
	s0 =	simm.s32 @p1 $0x1  }
0x15: {  	[smem:$0x3FB8] =	sst s0;
	s0 =	simm.s32 @!p2 $0x0  }
0x16: {  	s3 =	sld [smem:$0x3FDB];
	s0 =	simm.s32 @p2 $0x1  }
0x17: {  	s4 =	simm.s32 $0x1BF5;
	[smem:$0x3FBA] =	sst s0  }
0x18: {  	s0 =	sld [smem:$0x3F9D];
	_ =	swait.ge [sflag:s4], $0x0  }
0x19: {  	s7 =	sld [smem:$0x3F9E]  }
0x1a: {  	s8 =	sadd.s32 $0xFFFFE003, lr  }
0x1b: {  	s9 =	sadd.s32 $0xFFFFFEF7, lr;
	s5 =	simm.s32 $0xFFFFFFFF;
	p2 =	slt.u32 s8, $0xFFFFF086  }
0x1c: {  	p1 =	slt.u32 s9, $0xF7A;
	s5 =	simm.s32 @!p2 $0x0  }
0x1d: {  	s5 =	simm.s32 @p1 $0x1;
	p0 =	seq.s32 s7, s2  }
0x1e: {  	s7 =	smul.u32 @!p0 $0xF7A, s2;
	p2 =	seq.s32 @!p0 s5, $0x0  }
0x1f: {  	s9 =	smul.u32 $0xF7A, s1;
	s8 =	simm.s32 @!p0 $0x1BF5;
	p2 =	por !p2, p0  }
0x20: {  	[sflag:s8] =	ssyncset.s32 @!p0 $0xFFFFF086;
	s6 =	sadd.s32 @!p0 s3, s7;
	s7 =	simm.s32 @!p0 $0x108  }
0x21: {  	s3 =	sadd.s32 s3, s9;
	s6 =	sadd.s32 @!p0 $0x88, s6;
	s7 =	simm.s32 @p2 $0x1082  }
0x22: {  	[simem:s7], [sflag:s8] =	dma.local @!p0 [hbm:s6], $0xF7A  }
0x23: {  	s9 =	sor.u32 $0xD0000000, s2;
	s6 =	simm.s32 $0x108;
	_ =	swait.ge @!p0 [sflag:s8], $0x0  }
0x24: {  	s3 =	sadd.s32 $0x88, s3;
	s6 =	simm.s32 @!p1 $0x1082;
	[sflag:s4] =	ssyncset.s32 $0xFFFFF086  }
0x25: {  	[simem:s6], [sflag:s4] =	dma.local [hbm:s3], $0xF7A  }
0x26: {  	[smem:$0x3F9E] =	sst s1;
	(tag) =	ssettag s2;
	_ =	strace s9  }
0x27: {  	s1 =	sld [smem:$0x3FAE]  }
0x28: {  	s2 =	sld [smem:$0x3FAF]  }
0x29: {  	s4 =	sld [smem:$0x3FB1]  }
0x2a: {  	p0 =	seq.s32 s5, $0x0;
	s5 =	sld [smem:$0x3FB2]  }
0x2b: {  	s6 =	sld [smem:$0x3FB3]  }
0x2c: {  	s7 =	sld [smem:$0x3FB4]  }
0x2d: {  	s3 =	simm.s32 $0x108;
	s8 =	sld [smem:$0x3FB5]  }
0x2e: {  	s3 =	simm.s32 @!p0 $0x1082;
	s9 =	sld [smem:$0x3FB6]  }
0x2f: {  	lr =	sadd.s32 s0, s3;
	s0 =	sld [smem:$0x3FAD]  }
0x30: {  	s3 =	sld [smem:$0x3FB0]  }
0x31: {  	[smem:$0x3FB9] =	sst s10  }
0x32: {  	s10 =	sld [smem:$0x3FB7];
	_ =	sdelay $0x3  }
0x33: {  	p0 =	seq.s32 s10, $0x1;
	s10 =	sld [smem:$0x3FB9];
	_ =	sdelay $0x3  }
0x34: {  	[smem:$0x3FB9] =	sst s10  }
0x35: {  	s10 =	sld [smem:$0x3FB8];
	_ =	sdelay $0x3  }
0x36: {  	p1 =	seq.s32 s10, $0x1;
	s10 =	sld [smem:$0x3FB9];
	_ =	sdelay $0x3  }
0x37: {  	[smem:$0x3FB9] =	sst s10  }
0x38: {  	s10 =	sld [smem:$0x3FBA]  }
0x39: {  	_ = 	snop;
	(pc) =	sbr.ind lr, $3  }
0x3a: {  	_ = 	snop  }
0x3b: {  	_ = 	snop  }
0x3c: {  	p2 =	seq.s32 s10, $0x1;
	s10 =	sld [smem:$0x3FB9]  }
0x3d: {  	_ =	shalt  }
0x3e: {  	_ =	shalt  }
0x3f: {  	_ =	shalt  }
0x40: {  	_ =	shalt  }
0x41: {  	_ =	shalt  }
0x42: {  	_ =	shalt  }
0x43: {  	_ =	shalt  }
0x44: {  	_ =	shalt  }
0x45: {  	_ =	shalt  }
0x46: {  	_ =	shalt  }
0x47: {  	_ =	shalt  }
0x48: {  	_ =	shalt  }
0x49: {  	_ =	shalt  }
0x4a: {  	_ =	shalt  }
0x4b: {  	_ =	shalt  }
0x4c: {  	_ =	shalt  }
0x4d: {  	_ =	shalt  }
0x4e: {  	_ =	shalt  }
0x4f: {  	_ =	shalt  }
0x50: {  	_ =	shalt  }
0x51: {  	_ =	shalt  }
0x52: {  	_ =	shalt  }
0x53: {  	_ =	shalt  }
0x54: {  	_ =	shalt  }
0x55: {  	_ =	shalt  }
0x56: {  	_ =	shalt  }
0x57: {  	_ =	shalt  }
0x58: {  	_ =	shalt  }
0x59: {  	_ =	shalt  }
0x5a: {  	_ =	shalt  }
0x5b: {  	_ =	shalt  }
0x5c: {  	_ =	shalt  }
0x5d: {  	_ =	shalt  }
0x5e: {  	_ =	shalt  }
0x5f: {  	_ =	shalt  }
0x60: {  	_ =	shalt  }
0x61: {  	_ =	shalt  }
0x62: {  	_ =	shalt  }
0x63: {  	_ =	shalt  }
0x64: {  	_ =	shalt  }
0x65: {  	_ =	shalt  }
0x66: {  	_ =	shalt  }
0x67: {  	_ =	shalt  }
0x68: {  	_ =	shalt  }
0x69: {  	_ =	shalt  }
0x6a: {  	_ =	shalt  }
0x6b: {  	_ =	shalt  }
0x6c: {  	_ =	shalt  }
0x6d: {  	_ =	shalt  }
0x6e: {  	_ =	shalt  }
0x6f: {  	_ =	shalt  }
0x70: {  	_ =	shalt  }
0x71: {  	_ =	shalt  }
0x72: {  	_ =	shalt  }
0x73: {  	_ =	shalt  }
0x74: {  	_ =	shalt  }
0x75: {  	_ =	shalt  }
0x76: {  	_ =	shalt  }
0x77: {  	_ =	shalt  }
0x78: {  	_ =	shalt  }
0x79: {  	_ =	shalt  }
0x7a: {  	_ =	shalt  }
0x7b: {  	_ =	shalt  }
0x7c: {  	_ =	shalt  }
0x7d: {  	_ =	shalt  }
0x7e: {  	_ =	shalt  }
0x7f: {  	_ =	shalt  }
0x80: {  	_ =	shalt  }
0x81: {  	_ =	shalt  }
0x82: {  	_ =	shalt  }
0x83: {  	_ =	shalt  }
0x84: {  	_ =	shalt  }
0x85: {  	_ =	shalt  }
0x86: {  	_ =	shalt  }
0x87: {  	_ =	shalt  }
.Lfunc_end0:
.L_simem_size_0:
called_computation_lowered:
.L_overlay_start_0:
0x88: {  	s2 =	sld [smem:$0x3FD9]  }
0x89: {  	s3 =	sld [smem:$0x3FFE];
	_ =	sdelay $0x1  }
0x8a: {  	s1 =	srdreg.scid  }
0x8b: {  	s0 =	sand.u32 $0x1, s1  }
0x8c: {  	s17 =	sshll.u32 s0, $0xA;
	s2 =	sadd.s32 s3, s2  }
0x8d: {  	s2 =	sadd.s32 s2, s17  }
0x8e: {  	[smem:$0x3FC5] =	sst s2  }
0x8f: {  	_ = 	snop  }
0x90: {  	s2 =	sld [smem:$0x3FC7]  }
0x91: {  	s18 =	sld [smem:$0x3FD0];
	(tm) =	ssettm $0x1  }
0x92: {  	s4 =	sld [smem:$0x3FFB];
	_ =	sdelay $0x3  }
0x93: {  	_ =	strace s4  }
0x94: {  	s4 =	sld [smem:$0x3FFC];
	_ =	sdelay $0x3  }
0x95: {  	_ =	strace s4  }
0x96: {  	s4 =	sld [smem:$0x3FFD];
	_ =	sdelay $0x3  }
0x97: {  	_ =	strace s4  }
0x98: {  	_ =	strace $0x8FFFFFFF  }
0x99: {  	s19 =	sld [smem:$0x3FDB];
	_ =	sdelay $0x1  }
0x9a: {  	s5 =	simm.s32 $_scs_section_size  }
0x9b: {  	s6 =	simm.s32 $_size__tile_overlayer_lowered;
	s7 =	simm.s32 $_tile_overlayer_lowered  }
0x9c: {  	s22 =	simm.s32 $0x1BFF;
	s21 =	sshll.u32 s7, $0x1;
	s4 =	sadd.s32 s5, s19  }
0x9d: {  	s8 =	simm.s32 $0x0;
	s20 =	sshll.u32 s6, $0x1;
	s6 =	sadd.s32 s21, s4  }
0x9e: {  	[timem:s8], [sflag:s22] =	dma.local [hbm:s6], s20  }
0x9f: {  	_ =	swait.ge [sflag:s22], s20  }
0xa0: {  	s5 =	ssub.s32 $0x0, s20;
	[sflag:s22] =	ssyncset.done $0x0  }
0xa1: {  	[sflag:s22] =	ssyncadd.s32 s5;
	_ =	sdelay $0x1  }
0xa2: {  	s23 =	simm.s32 $0x1B8B  }
0xa3: {  	_ =	swait.ge [sflag:s23], $0x1  }
0xa4: {  	[sflag:s23] =	ssyncset.done $0x0  }
0xa5: {  	s25 =	simm.s32 $0x1B8E;
	s24 =	sld [smem:$0x3FFE];
	[sflag:s23] =	ssyncadd.s32 $0xFFFFFFFF  }
0xa6: {  	s26 =	simm.s32 $execute0_lowered;
	[smem:$0x3FD2] =	sst s25  }
0xa7: {  	s6 =	sshll.u32 s26, $0x1;
	_ =	strace $0x80000046;
	[dreg:$0x1] =	wrdreg $0xFFFFFFFF  }
0xa8: {  	s28 =	simm.s32 $_size_execute0_lowered;
	s4 =	sadd.s32 s4, s6;
	[dreg:$0x0] =	wrdreg $0x0  }
0xa9: {  	s6 =	sshll.u32 s28, $0x1;
	[dreg:$0x2] =	wrdreg s4  }
0xaa: {  	[dreg:$0x3] =	wrdreg s6  }
0xab: {  	[dreg:$0x4] =	wrdreg $0xC0  }
0xac: {  	_ =	task [dreg:s8], $0x5FFFF  }
0xad: {  	[dreg:$0x1] =	wrdreg $0xFFFFFFFF  }
0xae: {  	[dreg:$0x0] =	wrdreg $0x60  }
0xaf: {  	[dreg:$0x2] =	wrdreg s24  }
0xb0: {  	[dreg:$0x3] =	wrdreg s2  }
0xb1: {  	[dreg:$0x4] =	wrdreg s18  }
0xb2: {  	[dreg:$0x5] =	wrdreg $0x9  }
0xb3: {  	_ =	task.clear_ibuf [dreg:s8], $0x6FFFF;
	_ =	strace $0x90000046  }
0xb4: {  	s29 =	simm.s32 $0x9;
	_ =	strace $0x80000048  }
0xb5: {  	_ =	swait.ge [sflag:s29], $0x1  }
0xb6: {  	[sflag:s29] =	ssyncadd.s32 $0xFFFFFFFF  }
0xb7: {  	_ =	strace $0x90000048  }
0xb8: {  	_ =	sfence  }
0xb9: {  	s30 =	sld [smem:$0x0];
	_ =	sdelay $0x2  }
0xba: {  	s31 =	sshll.u32 s1, $0xD;
	s1 =	sshrl.u32 s1, $0x2  }
0xbb: {  	s3 =	sand.u32 $0x4000, s31;
	s1 =	sadd.s32 s1, s30  }
0xbc: {  	s0 =	sor.u32 s3, s0;
	s1 =	sshll.u32 s1, $0x11  }
0xbd: {  	s0 =	sor.u32 s1, s0  }
0xbe: {  	s0 =	sadd.s32 $0x8F2B, s0  }
0xbf: {  	[sflag:s0] =	ssyncadd.remote.s32 $0x1  }
0xc0: {  	_ =	sfence.sel $0xFFFF  }
0xc1: {  	[dreg:$0x0] =	wrdreg $0xFFFFFFFF;
	(pc) =	sbr.abs _section_cstart, $3  }
0xc2: {  	[dreg:$0x1] =	wrdreg $0xFFFFFFFF  }
0xc3: {  	_ =	task.clear_ibuf [dreg:s8], $0x2FFFF;
	_ =	strace $0x9FFFFFFF  }
0xc4: {  	(tm) =	ssettm $0x7FFFFFFF  }
0xc5: {  	_ =	shalt  }
tec
execute0_lowered:
.L_overlay_start_1:
0x0: {  	(tag) =	ssettag $0x1  }
0x1: {  	s0 =	rddreg [dreg:$0x0]  }
0x2: {  	s1 =	rddreg [dreg:$0x1]  }
0x3: {  	s3 =	rddreg [dreg:$0x2];
	s6 =	stileid.u32;
	s2 =	simm.s32 $0x0  }
0x4: {  	s18 =	srdreg.scid;
	s15 =	simm.s32 $0xE180;
	s4 =	sshll.u32 s6, $0xB  }
0x5: {  	s5 =	sshll.u32 s6, $0x7;
	[smem:$0x7FF] =	sst s2;
	s6 =	sshll.u32 s6, $0x12  }
0x6: {  	s4 =	sor.u32 s5, s4;
	s5 =	sand.u32 $0x1, s18;
	_ =	strace $0x80000047  }
0x7: {  	s4 =	sand.u32 $0x3C00, s4;
	s19 =	sshll.u32 s5, $0x8;
	s7 =	sshll.u32 s5, $0x11  }
0x8: {  	s9 =	ssub.s32 $0x2, s5;
	s0 =	sadd.s32 s4, s0;
	s8 =	sor.u32 $0x40, s19  }
0x9: {  	s7 =	sor.u32 s7, s6;
	s11 =	sshrl.u32 s9, $0x1;
	s16 =	sor.u32 $0x80, s19  }
0xa: {  	s18 =	sor.u32 $0xC0, s19;
	s10 =	sshll.u32 s8, $0x9;
	s7 =	sshrl.u32 s7, $0x3  }
0xb: {  	s9 =	ssub.s32 s9, s11;
	s21 =	sadd.s32 $0x8600, s0;
	s22 =	sadd.s32 $0x4600, s0  }
0xc: {  	s24 =	sshll.u32 s16, $0x9;
	s0 =	sadd.s32 $0x600, s0;
	[dreg:$0x5] =	wrdreg s21  }
0xd: {  	s26 =	sshll.u32 s18, $0x9;
	s10 =	sor.u32 s6, s10;
	[dreg:$0x6] =	wrdreg s22  }
0xe: {  	s20 =	sadd.s32 s1, s7;
	[dreg:$0x8] =	wrdreg s0;
	s25 =	sor.u32 s6, s24  }
0xf: {  	s6 =	sor.u32 s6, s26;
	s7 =	sadd.s32 s3, s7;
	[dreg:$0x4] =	wrdreg s20  }
0x10: {  	v0 =	vimm.s32 $0xFFEDCBA9;
	v1 =	vimm.s32 $0x87654321;
	s31 =	smax.u32 s9, $0x1;
	s10 =	sshrl.u32 s10, $0x3;
	[dreg:$0x9] =	wrdreg s7  }
0x11: {  	v0 =	vunpack.c.l.s4.s8 v0;
	v1 =	vunpack.c.l.s4.s8 v1;
	s0 =	sshrl.u32 s25, $0x3;
	[dreg:$0xf] =	wrdreg s31;
	s23 =	sadd.s32 s1, s10  }
0x12: {  	s6 =	sshrl.u32 s6, $0x3;
	s28 =	sadd.s32 s1, s0;
	[dreg:$0x7] =	wrdreg s23  }
.Ltmp0:
0x13: {  	v2 =	vunpack.c.0.s8.s32 v0;
	v3 =	vunpack.c.0.s8.s32 v1;
	s29 =	sadd.s32 s3, s10;
	[dreg:$0xa] =	wrdreg s28;
	(pc) =	sbr.rel .LBB2_1-.Ltmp0, $4  }
0x14: {  	s17 =	simm.s32 $0x5;
	v5 =	vlaneseq.u32;
	vm0 =	vmmov $0x7fff;
	v7 =	vimm.s32 $0x0;
	s1 =	sadd.s32 s1, s6;
	[dreg:$0xb] =	wrdreg s29  }
0x15: {  	v8 =	vimm.s32 $0x800000;
	v5 =	vor.u32 $0x80000000, v5;
	s5 =	sshll.u32 s5, $0x2;
	v6 =	vcombine.low v3, v2;
	s0 =	sadd.s32 s3, s0;
	[dreg:$0xc] =	wrdreg s1  }
0x16: {  	v0 =	vmov s5;
	v1 =	vmov s19;
	v3 =	vmov s16;
	s16 =	simm.s32 $0x16180;
	s30 =	sadd.s32 s3, s6;
	[dreg:$0xd] =	wrdreg s0  }
0x17: {  	v2 =	vmov s8;
	v4 =	vmov s18;
	s24 =	simm.s32 $0x0;
	v6 =	vand.u32 $0xF, v6;
	[dreg:$0xe] =	wrdreg s30;
	s23 =	simm.s32 $0x4  }
.LBB2_49:
0x18: {  	v9 =	vld [tilespmem:s0+$0x8000];
	_ =	sdelay $0x4  }
0x19: {  	v10 =	vshrl.u32 v9, $0x9  }
0x1a: {  	v10 =	vsub.s32 v10, v4  }
0x1b: {  	vm1 =	vlt.u32 v10, $0x40  }
0x1c: {  	v11 =	vshll.u32 v9, $0x3;
	v10 =	vnsel vm1, $0x0, v10  }
0x1d: {  	v9 =	vand.u32 $0x7F, v9;
	v11 =	vand.u32 $0xC00, v11;
	v12 =	vshll.u32 v10, $0x9  }
0x1e: {  	v9 =	vor.u32 v9, v11;
	v10 =	vshll.u32 v10, $0x7;
	v12 =	vand.u32 $0xFFFFF000, v12  }
0x1f: {  	v10 =	vand.u32 $0x380, v10;
	v9 =	vor.u32 v12, v9  }
0x20: {  	v11 =	vld [tilespmem:s0+$0xC100];
	v9 =	vor.u32 v10, v9;
	_ =	sdelay $0x4  }
0x21: {  	[tilespmem:v9+s16+$0x0] =	vst.idx.msk vm1, v11  }
.LBB2_50:
0x22: {  	s0 =	rddreg [dreg:$0xe]  }
0x23: {  	[hbm4b:s0+s2] =	stream.linear.scatter [tilespmem:s16], [sflag:$0x4], $0x8000, $0x38;
	[tilespmem:$0x1E180] =	vst v63  }
0x24: {  	_ =	swait.ge [sflag:s11], $0x8000  }
0x25: {  	[sflag:s11] =	ssyncset.done $0x0  }
0x26: {  	[sflag:s11] =	ssyncadd.s32 $0xFFFF8000  }
0x27: {  	_ =	swait.ge [sflag:s23], $0x8000  }
0x28: {  	s24 =	sadd.s32 $0x1, s24;
	s31 =	rddreg [dreg:$0xf]  }
0x29: {  	p0 =	sne.s32 s24, s31  }
.Ltmp1:
0x2a: {  	_ = 	snop;
	(pc) =	sbr.rel @!p0 .LBB2_51-.Ltmp1, $3  }
0x2b: {  	_ =	sdelay $0x1  }
0x2c: {  	[sflag:s23] =	ssyncset.done $0x0  }
0x2d: {  	[sflag:s23] =	ssyncadd.s32 $0xFFFF8000  }
.LBB2_1:
0x2e: {  	s0 =	rddreg [dreg:$0x4]  }
0x2f: {  	[tilespmem:s15], [sflag:$0x1] =	stream.linear.gather [hbm4b:s0+s2], $0x8000, $0x38;
	[tilespmem:$0x1E180] =	vst v63  }
0x30: {  	s12 =	rddreg [dreg:$0x7]  }
0x31: {  	[tilespmem:s16], [sflag:$0x2] =	stream.linear.gather [hbm4b:s12+s2], $0x8000, $0x38;
	[tilespmem:$0x1E180] =	vst v63  }
0x32: {  	s13 =	rddreg [dreg:$0x5]  }
0x33: {  	[tilespmem:s2], [sflag:$0x5] =	stream.linear.gather [hbm4b:s13+s2], $0x2000, $0x38;
	[tilespmem:$0x1E180] =	vst v63  }
0x34: {  	_ =	swait.ge [sflag:s17], $0x2000  }
0x35: {  	[sflag:s17] =	ssyncset.done $0x0  }
0x36: {  	s1 =	simm.s32 $0x2000;
	s14 =	rddreg [dreg:$0x6];
	[sflag:s17] =	ssyncadd.s32 $0xFFFFE000  }
0x37: {  	[tilespmem:s1], [sflag:$0x5] =	stream.linear.gather [hbm4b:s14+s2], $0x2000, $0x38;
	[tilespmem:$0x1E180] =	vst v63  }
0x38: {  	_ =	swait.ge [sflag:s17], $0x2000  }
0x39: {  	[sflag:s17] =	ssyncset.done $0x0  }
0x3a: {  	s19 =	simm.s32 $0x4000;
	s18 =	rddreg [dreg:$0x8];
	[sflag:s17] =	ssyncadd.s32 $0xFFFFE000  }
0x3b: {  	[tilespmem:s19], [sflag:$0x5] =	stream.linear.gather [hbm4b:s18+s2], $0x2000, $0x38;
	[tilespmem:$0x1E180] =	vst v63  }
0x3c: {  	_ =	swait.ge [sflag:s17], $0x2000  }
0x3d: {  	[sflag:s17] =	ssyncset.done $0x0  }
0x3e: {  	s20 =	simm.s32 $0x20;
	[sflag:s17] =	ssyncadd.s32 $0xFFFFE000  }
0x3f: {  	v9 =	vld [tilespmem:s20+$0xFFFFFFE0]  }
0x40: {  	s21 =	simm.s32 $0x2020;
	v10 =	vld [tilespmem:s20+$0x0]  }
0x41: {  	v11 =	vld [tilespmem:s21+$0x0]  }
0x42: {  	v12 =	vld [tilespmem:s21+$0xFFFFFFE0]  }
0x43: {  	s25 =	simm.s32 $0x4020  }
0x44: {  	v13 =	vld [tilespmem:s25+$0x0]  }
0x45: {  	v15 =	vld [tilespmem:s25+$0xFFFFFFE0]  }
0x46: {  	v10 =	vshll.u32 v10, $0x4;
	v11 =	vshll.u32 v11, $0xD  }
0x47: {  	v14 =	vld [tilespmem:s20+$0x10];
	v9 =	vshll.u32 v9, $0x4;
	v12 =	vshll.u32 v12, $0xD;
	v10 =	vadd.s32 v11, v10  }
0x48: {  	v16 =	vld [tilespmem:s21+$0x10];
	v9 =	vadd.s32 v12, v9;
	v10 =	vxor.u32 v5, v10  }
0x49: {  	v9 =	vxor.u32 v5, v9;
	(xrf1) =	vsort.ascd.msk.u32 $0xffff, v10, v13  }
0x4a: {  	(xrf1) =	vsort.ascd.msk.u32 $0xffff, v9, v15  }
0x4b: {  	v12 =	vld [tilespmem:s25+$0x10]  }
0x4c: {  	v11 =	vld [tilespmem:s20+$0xFFFFFFF0]  }
0x4d: {  	v10 =	vld [tilespmem:s21+$0xFFFFFFF0];
	v13 =	vshll.u32 v16, $0xD;
	v9 =	vshll.u32 v14, $0x4  }
0x4e: {  	v9 =	vadd.s32 v13, v9  }
0x4f: {  	v9 =	vxor.u32 v5, v9  }
0x50: {  	(xrf1) =	vsort.ascd.msk.u32 $0xffff, v9, v12  }
0x51: {  	v13 =	vld [tilespmem:s25+$0xFFFFFFF0]  }
0x52: {  	v9 =	vshll.u32 v10, $0xD;
	v10 =	vshll.u32 v11, $0x4  }
0x53: {  	v9 =	vadd.s32 v9, v10  }
0x54: {  	v9 =	vxor.u32 v5, v9;
	_ =	sdelay $0x1  }
0x55: {  	(xrf1) =	vsort.ascd.msk.u32 $0xffff, v9, v13  }
0x56: {  	v9, v10, _ =	vpop (xrf1)  }
0x57: {  	v11, v12, _ =	vpop (xrf1)  }
0x58: {  	v11 =	vxor.u32 $0x80000000, v11  }
0x59: {  	v9 =	vxor.u32 $0x80000000, v9;
	v14 =	vperm.xlane v11, v6  }
0x5a: {  	s22 =	simm.s32 $0x60;
	v13 =	vperm.xlane v9, v6  }
0x5b: {  	v18 =	vld [tilespmem:s22+$0x0]  }
0x5c: {  	v15 =	vld [tilespmem:s22+$0xFFFFFFE0];
	v9 =	vshrl.u32 v9, $0x4;
	v13 =	vshrl.u32 v13, $0x4  }
0x5d: {  	v11 =	vshrl.u32 v11, $0x4;
	vm1 =	veq.s32 v13, v9;
	v13 =	vshrl.u32 v14, $0x4;
	v14, v17, _ =	vpop (xrf1)  }
0x5e: {  	s3 =	simm.s32 $0x2060;
	vm2 =	veq.s32 v13, v11;
	v13 =	vxor.u32 $0x80000000, v14  }
0x5f: {  	v14 =	vld [tilespmem:s3+$0x0];
	v19 =	vperm.xlane v13, v6  }
0x60: {  	v22 =	vld [tilespmem:s22+$0xFFFFFFF0];
	v18 =	vshll.u32 v18, $0x4  }
0x61: {  	v15 =	vshll.u32 v15, $0x4;
	(erf) = vrcp.f32 v12;
	v12 =	vld [tilespmem:s22+$0x10];
	vm1 =	vmand vm1, vm0  }
0x62: {  	s0 =	simm.s32 $0x4060;
	v9 =	vsel vm1, $0x800000, v9;
	vm2 =	vmand vm2, vm0;
	(erf) = vrcp.f32 v17;
	v17 =	vld [tilespmem:s3+$0xFFFFFFE0]  }
0x63: {  	v16 =	vld [tilespmem:s0+$0x0];
	(erf) = vrcp.f32 v10;
	v10 =	vshrl.u32 v13, $0x4;
	v13 =	vshrl.u32 v19, $0x4;
	v19, v21, _ =	vpop (xrf1)  }
0x64: {  	vm1 =	veq.s32 v13, v10;
	v13 =	vld [tilespmem:s3+$0xFFFFFFF0];
	v14 =	vshll.u32 v14, $0xD;
	v19 =	vxor.u32 $0x80000000, v19  }
0x65: {  	s26 =	simm.s32 $0x6020;
	v14 =	vadd.s32 v14, v18;
	v23 =	vperm.xlane v19, v6;
	v18 =	vshrl.u32 v19, $0x4;
	v19 =	vld [tilespmem:s0+$0xFFFFFFE0]  }
0x66: {  	v12 =	vshll.u32 v12, $0x4;
	v20 =	vshrl.u32 v9, $0xF;
	[tilespmem:s26+$0x0] =	vst v9;
	v9 =	vsel vm2, $0x800000, v11  }
0x67: {  	v11 =	vshrl.u32 v9, $0xF;
	v17 =	vshll.u32 v17, $0xD;
	(erf) = vrcp.f32 v21;
	v21 =	vld [tilespmem:s3+$0x10]  }
0x68: {  	[tilespmem:s26+$0xFFFFFFE0] =	vst v9;
	vm1 =	vmand vm1, vm0;
	v15 =	vadd.s32 v17, v15;
	v14 =	vxor.u32 v5, v14  }
0x69: {  	v9 =	vsub.s32 v11, v0;
	v10 =	vsel vm1, $0x800000, v10;
	v15 =	vxor.u32 v5, v15;
	(xrf1) =	vsort.ascd.msk.u32 $0xffff, v14, v16  }
0x6a: {  	v14 =	vshrl.u32 v10, $0xF;
	v16 =	vshll.u32 v22, $0x4;
	v13 =	vshll.u32 v13, $0xD;
	(xrf1) =	vsort.ascd.msk.u32 $0xffff, v15, v19  }
0x6b: {  	v24 =	vpop (erf);
	v23 =	vshrl.u32 v23, $0x4;
	vm4 =	veq.s32 v14, v0;
	v13 =	vadd.s32 v13, v16  }
0x6c: {  	[tilespmem:s26+$0x10] =	vst v10;
	vm3 =	veq.s32 v23, v18;
	v10 =	vsel vm4, $0x1, v7;
	v17 =	vshll.u32 v21, $0xD;
	v21 =	vpop (erf)  }
0x6d: {  	v16 =	vld [tilespmem:s0+$0x10];
	vm2 =	vmand vm3, vm0;
	v13 =	vxor.u32 v5, v13;
	v15 =	vmul.f32 $5.000000000e-01, v21  }
0x6e: {  	(xrf0) =	vadd.scan.msk.s32 $0xffff, v10;
	v12 =	vadd.s32 v17, v12;
	v17 =	vsub.s32 v14, v0;
	v14 =	vsel vm2, $0x800000, v18  }
0x6f: {  	v12 =	vxor.u32 v5, v12;
	v10 =	vshrl.u32 v14, $0xF;
	[tilespmem:s25+$0x10] =	vst v15;
	v15 =	vsub.s32 v20, v0  }
0x70: {  	vm1 =	veq.s32 v17, $0x1;
	vm5 =	veq.s32 v17, $0x3;
	v19 =	vsub.s32 v10, v0  }
0x71: {  	[tilespmem:s26+$0xFFFFFFF0] =	vst v14;
	vm4 =	veq.s32 v10, v0;
	v10 =	vsel vm5, $0x1, v7;
	vm2 =	veq.s32 v15, $0x1  }
0x72: {  	v21 =	vld [tilespmem:s0+$0xFFFFFFF0];
	vm3 =	veq.s32 v15, $0x2;
	(xrf1) =	vsort.ascd.msk.u32 $0xffff, v12, v16;
	v16 =	vsel vm2, $0x1, v7;
	vm2 =	veq.s32 v15, $0x3;
	v15 =	vpop (erf)  }
0x73: {  	vm5 =	veq.s32 v9, $0x1;
	v18 =	vsel vm2, $0x1, v7;
	(xrf0) =	vadd.scan.msk.s32 $0xffff, v16;
	v15 =	vmul.f32 $5.000000000e-01, v15  }
0x74: {  	v12 =	vsel vm3, $0x1, v7;
	vm3 =	veq.s32 v11, v0;
	vm2 =	veq.s32 v9, $0x3;
	(xrf0) =	vadd.scan.msk.s32 $0xffff, v18  }
0x75: {  	v14 =	vsel vm2, $0x1, v7;
	vm2 =	veq.s32 v19, $0x1;
	v18 =	vsel vm3, $0x1, v7;
	(xrf0) =	vadd.scan.msk.s32 $0xffff, v10  }
0x76: {  	vm3 =	veq.s32 v9, $0x2;
	(xrf0) =	vadd.scan.msk.s32 $0xffff, v18;
	v18 =	vsel vm2, $0x1, v7;
	vm2 =	veq.s32 v17, $0x2  }
0x77: {  	[tilespmem:s25+$0x0] =	vst v15;
	v23 =	vsel vm2, $0x1, v7;
	v15, v11, _ =	vpop (xrf1);
	(xrf1) =	vsort.ascd.msk.u32 $0xffff, v13, v21;
	v13 =	vmul.f32 $5.000000000e-01, v24  }
0x78: {  	v22 =	vsel vm5, $0x1, v7;
	v26 =	vsel vm4, $0x1, v7;
	v16 =	vsel vm3, $0x1, v7;
	v63, v25, _ =	vpop (xrf1)  }
0x79: {  	vm3 =	veq.s32 v19, $0x3;
	v17, _, _ =	vpop (xrf0);
	(xrf0) =	vadd.scan.msk.s32 $0xffff, v23;
	v10 =	vxor.u32 $0x80000000, v15;
	v24 =	vxor.u32 $0x80000000, v63  }
0x7a: {  	v21 =	vsel vm3, $0x1, v7;
	(xrf0) =	vadd.scan.msk.s32 $0xffff, v22;
	v15 =	vperm.xlane v10, v6;
	v23, _, _ =	vpop (xrf0);
	v22 =	vperm.xlane v24, v6  }
0x7b: {  	vm4 =	veq.s32 v20, v0;
	v10 =	vshrl.u32 v10, $0x4;
	[tilespmem:s25+$0xFFFFFFE0] =	vst v13;
	(v2sf) =	vpush v23, $0xF;
	v13, _, _ =	vpop (xrf0)  }
0x7c: {  	v9 =	vpop (erf);
	(xrf0) =	vadd.scan.msk.s32 $0xffff, v21;
	v15 =	vshrl.u32 v15, $0x4;
	(v2sf) =	vpush v13, $0xF;
	v13 =	vshrl.u32 v22, $0x4  }
0x7d: {  	v20 =	vsel vm4, $0x1, v7;
	(xrf0) =	vadd.scan.msk.s32 $0xffff, v18;
	vm2 =	veq.s32 v15, v10;
	v21, _, _ =	vpop (xrf0)  }
0x7e: {  	s28 =	simm.s32 $0x6060;
	s30 =	simm.s32 $0x0;
	s31 =	simm.s32 $0x0;
	vm3 =	veq.s32 v19, $0x2;
	(xrf0) =	vadd.scan.msk.s32 $0xffff, v26;
	vm2 =	vmand vm2, vm0;
	v18, _, _ =	vpop (xrf0);
	v15 =	vshrl.u32 v24, $0x4  }
0x7f: {  	s29 =	simm.s32 $0x0;
	s1 =	simm.s32 $0x0;
	s18 =	simm.s32 $0x4;
	(xrf0) =	vadd.scan.msk.s32 $0xffff, v14;
	(v2sf) =	vpush v21, $0xF;
	v10 =	vsel vm2, $0x800000, v10;
	v14, _, _ =	vpop (xrf0);
	vm4 =	veq.s32 v13, v15  }
0x80: {  	s19 =	simm.s32 $0xA0;
	s3 =	simm.s32 $0x20A0;
	s26 =	simm.s32 $0x4060;
	(erf) = vrcp.f32 v25;
	[tilespmem:s28+$0x0] =	vst v10;
	v10 =	vshrl.u32 v10, $0xF;
	vm2 =	vmand vm4, vm0;
	v19, v13, _ =	vpop (xrf1)  }
.LBB2_2:
0x81: {  	v21 =	vld [tilespmem:s19+$0xFFFFFFE0];
	s18 =	sadd.s32 $0x4, s18;
	s0 =	sadd.s32 $0x40, s0;
	v22 =	vsel vm3, $0x1, v7;
	v23 =	vsel vm1, $0x1, v7;
	(v2sf) =	vpush v18, $0xF;
	v18, _, _ =	vpop (xrf0);
	(xrf0) =	vadd.scan.msk.s32 $0xffff, v20  }
0x82: {  	v25 =	vmul.f32 $5.000000000e-01, v9;
	v20 =	vld [tilespmem:s0+$0x0];
	p0 =	slt.u32 s18, $0x1FC;
	(v2sf) =	vpush v18, $0xF;
	v18, _, _ =	vpop (xrf0);
	(xrf0) =	vadd.scan.msk.s32 $0xffff, v23  }
0x83: {  	v19 =	vxor.u32 $0x80000000, v19;
	v23 =	vld [tilespmem:s19+$0x10];
	(erf) = vrcp.f32 v13;
	v24, _, _ =	vpop (xrf0);
	(v2sf) =	vpush v17, $0xF  }
0x84: {  	v26 =	vperm.xlane v19, v6;
	v13 =	vld [tilespmem:s19+$0x0];
	(erf) = vrcp.f32 v11;
	(xrf0) =	vadd.scan.msk.s32 $0xffff, v16;
	v11, _, _ =	vpop (xrf0);
	(v2sf) =	vpush v18, $0xF  }
0x85: {  	v18 =	vshrl.u32 v19, $0x4;
	v16 =	vld [tilespmem:s3+$0x0];
	[tilespmem:s25+$0xFFFFFFF0] =	vst v25;
	v9, _, _ =	vpop (xrf0);
	(v2sf) =	vpush v11, $0xF;
	(xrf0) =	vadd.scan.msk.s32 $0xffff, v12;
	s25 =	smov.u32 s26;
	s26 =	smov.u32 s0  }
0x86: {  	v25 =	vshrl.u32 v26, $0x4;
	v11 =	vld [tilespmem:s3+$0xFFFFFFE0];
	v12 =	vshll.u32 v21, $0x4;
	v19, v21, _ =	vpop (xrf1);
	(v2sf) =	vpush v9, $0xF  }
0x87: {  	vm1 =	veq.s32 v25, v18;
	v9 =	vld [tilespmem:s19+$0xFFFFFFF0];
	v19 =	vxor.u32 $0x80000000, v19;
	(erf) = vrcp.f32 v21;
	v17, _, _ =	vpop (xrf0)  }
0x88: {  	vm1 =	vmand vm1, vm0;
	v21 =	vld [tilespmem:s3+$0xFFFFFFF0];
	v25 =	vperm.xlane v19, v6;
	(xrf0) =	vadd.scan.msk.s32 $0xffff, v22;
	(v2sf) =	vpush v17, $0xF;
	v17, _, _ =	vpop (xrf0)  }
0x89: {  	v19 =	vshrl.u32 v19, $0x4;
	v18 =	vsel vm1, $0x800000, v18;
	v30 =	vshll.u32 v13, $0x4;
	v26 =	vld [tilespmem:s3+$0x10];
	v13 =	vpop (erf)  }
0x8a: {  	v27 =	vld [tilespmem:s0+$0xFFFFFFF0];
	v31 =	vshll.u32 v16, $0xD;
	v25 =	vshrl.u32 v25, $0x4;
	[tilespmem:s28+$0x10] =	vst v18;
	v18 =	vshrl.u32 v18, $0xF;
	v28, _, _ =	vpop (xrf0)  }
0x8b: {  	v11 =	vshll.u32 v11, $0xD;
	v29 =	vld [tilespmem:s0+$0xFFFFFFE0];
	v30 =	vadd.s32 v31, v30;
	(v2sf) =	vpush v24, $0xF;
	s4 =	spop (v2sf);
	v22, _, _ =	vpop (xrf0)  }
0x8c: {  	v11 =	vadd.s32 v11, v12;
	v12 =	vxor.u32 v5, v30;
	v16 =	vpop (erf);
	(v2sf) =	vpush v22, $0xF;
	s5 =	spop (v2sf)  }
0x8d: {  	v11 =	vxor.u32 v5, v11;
	v21 =	vshll.u32 v21, $0xD;
	v22 =	vld [tilespmem:s0+$0x10];
	(xrf1) =	vsort.ascd.msk.u32 $0xffff, v12, v20;
	v20 =	vpop (erf);
	(v2sf) =	vpush v17, $0xF  }
0x8e: {  	v30 =	vshll.u32 v9, $0x4;
	v12 =	vshll.u32 v23, $0x4;
	(v2sf) =	vpush v28, $0xF;
	v17, _, _ =	vpop (xrf0);
	s6 =	spop (v2sf)  }
0x8f: {  	v21 =	vadd.s32 v21, v30;
	v24 =	vshll.u32 v26, $0xD;
	(v2sf) =	vpush v17, $0xF  }
0x90: {  	v23 =	vsub.s32 v18, v0;
	v12 =	vadd.s32 v24, v12;
	(xrf1) =	vsort.ascd.msk.u32 $0xffff, v11, v29;
	v11 =	vmul.f32 $5.000000000e-01, v16;
	v9 =	vpop (erf);
	s7 =	spop (v2sf)  }
0x91: {  	vm1 =	veq.s32 v23, $0x1;
	v12 =	vxor.u32 v5, v12;
	s7 =	sadd.s32 s30, s7;
	s8 =	spop (v2sf);
	(v2sf) =	vpush v14, $0xF  }
0x92: {  	vm4 =	veq.s32 v25, v19;
	vm5 =	veq.s32 v18, v0;
	vm3 =	veq.s32 v23, $0x3;
	[tilespmem:s25+$0x10] =	vst v11;
	s9 =	spop (v2sf)  }
0x93: {  	v14 =	vsel vm5, $0x1, v7;
	v11 =	vsel vm2, $0x800000, v15;
	vm2 =	vmand vm4, vm0;
	s30 =	spop (v2sf)  }
0x94: {  	v17 =	vsub.s32 v10, v0;
	v15 =	vshrl.u32 v11, $0xF;
	v16 =	vsel vm2, $0x800000, v19;
	(xrf0) =	vadd.scan.msk.s32 $0xffff, v14;
	s10 =	spop (v2sf)  }
0x95: {  	vm4 =	veq.s32 v17, $0x2;
	s8 =	sadd.s32 s31, s8;
	vm2 =	veq.s32 v17, $0x1;
	[tilespmem:s28+$0xFFFFFFE0] =	vst v11;
	v11 =	vshrl.u32 v16, $0xF;
	s7 =	sadd.s32 s10, s7;
	s10 =	spop (v2sf)  }
0x96: {  	v14 =	vsel vm2, $0x1, v7;
	vm2 =	veq.s32 v17, $0x3;
	(xrf1) =	vsort.ascd.msk.u32 $0xffff, v12, v22;
	v12 =	vsel vm4, $0x1, v7  }
0x97: {  	v18 =	vxor.u32 v5, v21;
	v19 =	vsub.s32 v15, v0;
	v17 =	vsel vm2, $0x1, v7;
	s10 =	sadd.s32 s29, s10;
	(xrf0) =	vadd.scan.msk.s32 $0xffff, v14;
	s29 =	spop (v2sf)  }
0x98: {  	v20 =	vmul.f32 $5.000000000e-01, v20;
	vm4 =	veq.s32 v19, $0x3;
	v14 =	vsub.s32 v11, v0;
	s10 =	sadd.s32 s30, s10;
	[tilespmem:s28+$0xFFFFFFF0] =	vst v16;
	s7 =	sadd.s32 s29, s7  }
0x99: {  	vm5 =	veq.s32 v15, v0;
	v15 =	vsel vm3, $0x1, v7;
	vm2 =	veq.s32 v11, v0;
	s5 =	sadd.s32 s5, s10;
	(xrf0) =	vadd.scan.msk.s32 $0xffff, v17;
	s30 =	sadd.s32 s9, s7  }
0x9a: {  	vm3 =	veq.s32 v19, $0x1;
	v21 =	vsel vm4, $0x1, v7;
	vm4 =	veq.s32 v14, $0x1;
	s29 =	sadd.s32 s6, s5;
	[tilespmem:s25+$0x0] =	vst v20;
	v17, _, _ =	vpop (xrf0);
	s5 =	spop (v2sf)  }
0x9b: {  	v22 =	vsel vm3, $0x1, v7;
	vm3 =	veq.s32 v19, $0x2;
	v20 =	vsel vm5, $0x1, v7;
	v16, v11, _ =	vpop (xrf1);
	(xrf0) =	vadd.scan.msk.s32 $0xffff, v15;
	s5 =	sadd.s32 s5, s8;
	s6 =	spop (v2sf)  }
0x9c: {  	v15 =	vxor.u32 $0x80000000, v16;
	v16 =	vsel vm3, $0x1, v7;
	vm3 =	veq.s32 v14, $0x3;
	(xrf0) =	vadd.scan.msk.s32 $0xffff, v20;
	s4 =	sadd.s32 s4, s5;
	s5 =	spop (v2sf)  }
0x9d: {  	v20 =	vsel vm4, $0x1, v7;
	vm4 =	veq.s32 v23, $0x2;
	v19 =	vperm.xlane v15, v6;
	(xrf1) =	vsort.ascd.msk.u32 $0xffff, v18, v27;
	v18, _, _ =	vpop (xrf0);
	s31 =	sadd.s32 s5, s4;
	s4 =	spop (v2sf)  }
0x9e: {  	v13 =	vmul.f32 $5.000000000e-01, v13;
	v25 =	vsel vm3, $0x1, v7;
	v26 =	vsel vm4, $0x1, v7;
	v23, v24, _ =	vpop (xrf1);
	s1 =	sadd.s32 s1, s4;
	s4 =	spop (v2sf)  }
0x9f: {  	v27 =	vshrl.u32 v15, $0x4;
	v15 =	vshrl.u32 v19, $0x4;
	v19 =	vsel vm2, $0x1, v7;
	v28, _, _ =	vpop (xrf0);
	(xrf0) =	vadd.scan.msk.s32 $0xffff, v26;
	s1 =	sadd.s32 s4, s1  }
0xa0: {  	v23 =	vxor.u32 $0x80000000, v23;
	vm2 =	veq.s32 v15, v27;
	[tilespmem:s25+$0xFFFFFFE0] =	vst v13;
	(xrf0) =	vadd.scan.msk.s32 $0xffff, v22;
	s1 =	sadd.s32 s6, s1;
	s4 =	spop (v2sf)  }
.Ltmp2:
0xa1: {  	v26 =	vperm.xlane v23, v6;
	vm2 =	vmand vm2, vm0;
	(xrf0) =	vadd.scan.msk.s32 $0xffff, v25;
	(v2sf) =	vpush v18, $0xF;
	v22, _, _ =	vpop (xrf0);
	s1 =	sadd.s32 s4, s1;
	(pc) =	sbr.rel @p0 .LBB2_2-.Ltmp2, $4  }
0xa2: {  	vm3 =	veq.s32 v14, $0x2;
	vm4 =	veq.s32 v10, v0;
	v18, _, _ =	vpop (xrf0);
	(xrf0) =	vadd.scan.msk.s32 $0xffff, v20;
	(v2sf) =	vpush v28, $0xF  }
0xa3: {  	v15 =	vshrl.u32 v23, $0x4;
	v10 =	vshrl.u32 v26, $0x4;
	v20 =	vsel vm4, $0x1, v7;
	(xrf0) =	vadd.scan.msk.s32 $0xffff, v19  }
0xa4: {  	s28 =	sadd.s32 $0x40, s28;
	vm4 =	veq.s32 v10, v15;
	v10 =	vsel vm2, $0x800000, v27;
	v19, v13, _ =	vpop (xrf1);
	(xrf0) =	vadd.scan.msk.s32 $0xffff, v21;
	(v2sf) =	vpush v22, $0xF  }
0xa5: {  	s19 =	sadd.s32 $0x40, s19;
	s3 =	sadd.s32 $0x40, s3;
	vm2 =	vmand vm4, vm0;
	[tilespmem:s28+$0x0] =	vst v10;
	v10 =	vshrl.u32 v10, $0xF;
	(erf) = vrcp.f32 v24;
	v14, _, _ =	vpop (xrf0)  }
0xa6: {  	(v2sf) =	vpush v18, $0xF  }
0xa7: {  	v19 =	vxor.u32 $0x80000000, v19;
	v22 =	vsel vm3, $0x1, v7;
	v57 =	vsel vm1, $0x1, v7  }
0xa8: {  	v21, _, _ =	vpop (xrf0);
	v62 =	vsub.s32 v10, v0;
	v63 =	vsel vm2, $0x800000, v15;
	v53 =	vperm.xlane v19, v6  }
0xa9: {  	v51, _, _ =	vpop (xrf0);
	(v2sf) =	vpush v21, $0xF;
	v19 =	vshrl.u32 v19, $0x4;
	vm2 =	veq.s32 v62, $0x1  }
0xaa: {  	(xrf0) =	vadd.scan.msk.s32 $0xffff, v20;
	v29 =	vshrl.u32 v63, $0xF;
	v52, _, _ =	vpop (xrf0);
	(v2sf) =	vpush v17, $0xF;
	v21 =	vshrl.u32 v53, $0x4  }
0xab: {  	(xrf0) =	vadd.scan.msk.s32 $0xffff, v57;
	v28 =	vsel vm2, $0x1, v7;
	vm2 =	veq.s32 v62, $0x3;
	v54, _, _ =	vpop (xrf0);
	vm3 =	veq.s32 v21, v19  }
0xac: {  	(xrf0) =	vadd.scan.msk.s32 $0xffff, v16;
	(v2sf) =	vpush v51, $0xF;
	v31 =	vsel vm2, $0x1, v7;
	v23, v18, _ =	vpop (xrf1);
	vm3 =	vmand vm3, vm0  }
0xad: {  	(xrf0) =	vadd.scan.msk.s32 $0xffff, v12;
	(v2sf) =	vpush v54, $0xF;
	v23 =	vxor.u32 $0x80000000, v23;
	v58 =	vsel vm3, $0x800000, v19  }
0xae: {  	v24, _, _ =	vpop (xrf0);
	(xrf0) =	vadd.scan.msk.s32 $0xffff, v22;
	v22 =	vsub.s32 v29, v0;
	v56 =	vperm.xlane v23, v6;
	v60 =	vshrl.u32 v58, $0xF  }
0xaf: {  	(v2sf) =	vpush v24, $0xF;
	vm2 =	veq.s32 v22, $0x1;
	vm3 =	veq.s32 v60, v0  }
0xb0: {  	v55, _, _ =	vpop (xrf0);
	v59 =	vshrl.u32 v23, $0x4;
	v21 =	vshrl.u32 v56, $0x4;
	v27 =	vsel vm3, $0x1, v7  }
0xb1: {  	(v2sf) =	vpush v55, $0xF;
	v61 =	vsub.s32 v60, v0;
	vm1 =	veq.s32 v21, v59;
	(xrf0) =	vadd.scan.msk.s32 $0xffff, v27  }
0xb2: {  	v32, _, _ =	vpop (xrf0);
	(v2sf) =	vpush v52, $0xF;
	vm4 =	veq.s32 v61, $0x3;
	vm1 =	vmand vm1, vm0;
	(xrf0) =	vadd.scan.msk.s32 $0xffff, v28  }
0xb3: {  	v35, _, _ =	vpop (xrf0);
	v34 =	vsel vm4, $0x1, v7;
	v30 =	vsel vm1, $0x800000, v59;
	vm1 =	veq.s32 v29, v0;
	(xrf0) =	vadd.scan.msk.s32 $0xffff, v31  }
0xb4: {  	v36, _, _ =	vpop (xrf0);
	v33 =	vshrl.u32 v30, $0xF;
	v25 =	vsel vm1, $0x1, v7;
	(xrf0) =	vadd.scan.msk.s32 $0xffff, v34;
	vm1 =	veq.s32 v61, $0x2  }
0xb5: {  	(v2sf) =	vpush v36, $0xF;
	v26 =	vsub.s32 v33, v0;
	(xrf0) =	vadd.scan.msk.s32 $0xffff, v25;
	v37 =	vsel vm1, $0x1, v7  }
0xb6: {  	v39 =	vsel vm2, $0x1, v7;
	v38, _, _ =	vpop (xrf0);
	(v2sf) =	vpush v32, $0xF;
	(xrf0) =	vadd.scan.msk.s32 $0xffff, v37;
	vm1 =	veq.s32 v26, $0x3  }
0xb7: {  	(v2sf) =	vpush v35, $0xF;
	vm2 =	veq.s32 v26, $0x1;
	v40, _, _ =	vpop (xrf0);
	(xrf0) =	vadd.scan.msk.s32 $0xffff, v39;
	v41 =	vsel vm1, $0x1, v7  }
0xb8: {  	(v2sf) =	vpush v38, $0xF;
	vm1 =	veq.s32 v33, v0;
	v43 =	vsel vm2, $0x1, v7;
	v42, _, _ =	vpop (xrf0);
	(xrf0) =	vadd.scan.msk.s32 $0xffff, v41  }
0xb9: {  	(v2sf) =	vpush v14, $0xF;
	vm2 =	veq.s32 v22, $0x3;
	v45 =	vsel vm1, $0x1, v7;
	v44, _, _ =	vpop (xrf0);
	(xrf0) =	vadd.scan.msk.s32 $0xffff, v43  }
0xba: {  	s3 =	spop (v2sf);
	vm1 =	veq.s32 v10, v0;
	v10 =	vsel vm2, $0x1, v7;
	vm2 =	veq.s32 v61, $0x1;
	v46, _, _ =	vpop (xrf0);
	(xrf0) =	vadd.scan.msk.s32 $0xffff, v45  }
0xbb: {  	s6 =	spop (v2sf);
	(v2sf) =	vpush v42, $0xF;
	v47, _, _ =	vpop (xrf0);
	(xrf0) =	vadd.scan.msk.s32 $0xffff, v10;
	v10 =	vsel vm1, $0x1, v7;
	vm1 =	veq.s32 v22, $0x2  }
0xbc: {  	s0 =	spop (v2sf);
	v49 =	vsel vm2, $0x1, v7;
	(v2sf) =	vpush v44, $0xF;
	v48, _, _ =	vpop (xrf0);
	(xrf0) =	vadd.scan.msk.s32 $0xffff, v10;
	v10 =	vsel vm1, $0x1, v7  }
0xbd: {  	s5 =	spop (v2sf);
	vm2 =	veq.s32 v62, $0x2;
	(v2sf) =	vpush v46, $0xF;
	v50, _, _ =	vpop (xrf0);
	(xrf0) =	vadd.scan.msk.s32 $0xffff, v49  }
0xbe: {  	s7 =	spop (v2sf);
	v20 =	vsel vm2, $0x1, v7;
	(v2sf) =	vpush v47, $0xF;
	v51, _, _ =	vpop (xrf0);
	(xrf0) =	vadd.scan.msk.s32 $0xffff, v10  }
0xbf: {  	s8 =	spop (v2sf);
	(v2sf) =	vpush v50, $0xF;
	v10, _, _ =	vpop (xrf0);
	(xrf0) =	vadd.scan.msk.s32 $0xffff, v20  }
0xc0: {  	s9 =	spop (v2sf);
	vm1 =	veq.s32 v26, $0x2;
	(v2sf) =	vpush v40, $0xF;
	v52, _, _ =	vpop (xrf0)  }
0xc1: {  	s10 =	spop (v2sf);
	v53 =	vsel vm1, $0x1, v7;
	(v2sf) =	vpush v51, $0xF;
	v54, _, _ =	vpop (xrf0)  }
0xc2: {  	s18 =	spop (v2sf);
	(v2sf) =	vpush v52, $0xF;
	v55, _, _ =	vpop (xrf0);
	(xrf0) =	vadd.scan.msk.s32 $0xffff, v53  }
0xc3: {  	s19 =	spop (v2sf);
	(v2sf) =	vpush v54, $0xF;
	v56, _, _ =	vpop (xrf0)  }
0xc4: {  	s11 =	spop (v2sf);
	(v2sf) =	vpush v55, $0xF;
	v57, _, _ =	vpop (xrf0)  }
0xc5: {  	s12 =	spop (v2sf);
	(v2sf) =	vpush v10, $0xF;
	v10, _, _ =	vpop (xrf0)  }
0xc6: {  	s13 =	spop (v2sf);
	(v2sf) =	vpush v10, $0xF  }
0xc7: {  	s14 =	spop (v2sf);
	(v2sf) =	vpush v56, $0xF  }
0xc8: {  	s20 =	spop (v2sf);
	(v2sf) =	vpush v57, $0xF;
	v10, _, _ =	vpop (xrf0)  }
0xc9: {  	s21 =	spop (v2sf);
	(v2sf) =	vpush v10, $0xF  }
0xca: {  	s22 =	spop (v2sf)  }
0xcb: {  	s4 =	spop (v2sf);
	(v2sf) =	vpush v48, $0xF  }
0xcc: {  	s30 =	sadd.s32 s30, s5;
	s7 =	sadd.s32 s31, s7;
	s5 =	spop (v2sf)  }
0xcd: {  	s10 =	sadd.s32 s10, s30;
	s18 =	sadd.s32 s29, s18;
	s29 =	spop (v2sf)  }
0xce: {  	(erf) = vrcp.f32 v13;
	s9 =	sadd.s32 s9, s18;
	s10 =	sadd.s32 s19, s10;
	s18 =	spop (v2sf)  }
0xcf: {  	(erf) = vrcp.f32 v11;
	s6 =	sadd.s32 s6, s9;
	s8 =	sadd.s32 s8, s10;
	s9 =	spop (v2sf)  }
0xd0: {  	(erf) = vrcp.f32 v18;
	s7 =	sadd.s32 s11, s7;
	s1 =	sadd.s32 s1, s14;
	s10 =	spop (v2sf)  }
0xd1: {  	v9 =	vmul.f32 $5.000000000e-01, v9;
	s3 =	sadd.s32 s3, s7;
	s1 =	sadd.s32 s20, s1;
	s19 =	spop (v2sf)  }
0xd2: {  	s3 =	sadd.s32 s13, s3;
	s1 =	sadd.s32 s12, s1;
	s11 =	spop (v2sf)  }
0xd3: {  	s1 =	sadd.s32 s21, s1;
	s8 =	sadd.s32 s8, s29;
	s20 =	spop (v2sf)  }
0xd4: {  	s3 =	sadd.s32 s3, s18;
	s7 =	sadd.s32 s19, s8;
	s21 =	spop (v2sf)  }
0xd5: {  	[tilespmem:s25+$0xFFFFFFF0] =	vst v9;
	v9 =	vpop (erf);
	s7 =	sadd.s32 s20, s7;
	s3 =	sadd.s32 s21, s3;
	s29 =	spop (v2sf)  }
0xd6: {  	[tilespmem:s28+$0xFFFFFFE0] =	vst v63;
	v9 =	vmul.f32 $5.000000000e-01, v9;
	s7 =	sadd.s32 s9, s7;
	s3 =	sadd.s32 s22, s3;
	s12 =	spop (v2sf)  }
0xd7: {  	[tilespmem:s28+$0x10] =	vst v58;
	v10 =	vpop (erf);
	s31 =	sadd.s32 $0xF, s7;
	s3 =	sadd.s32 s12, s3;
	s13 =	spop (v2sf)  }
0xd8: {  	[tilespmem:s26+$0xFFFFFFE0] =	vst v9;
	v11 =	vpop (erf);
	v10 =	vmul.f32 $5.000000000e-01, v10;
	s9 =	sadd.s32 s1, s13;
	s14 =	spop (v2sf);
	s1 =	sand.u32 $0xFFFFFFF0, s31  }
0xd9: {  	[tilespmem:s28+$0xFFFFFFF0] =	vst v30;
	s0 =	sadd.s32 s0, s6;
	v11 =	vmul.f32 $5.000000000e-01, v11;
	v58 =	vpop (erf);
	s18 =	sadd.s32 s14, s9;
	s3 =	sadd.s32 s3, s1  }
0xda: {  	[tilespmem:s26+$0x10] =	vst v10;
	v10 =	vmul.f32 $5.000000000e-01, v58;
	s19 =	spop (v2sf);
	s6 =	sadd.s32 s29, s18;
	s28 =	sadd.s32 $0xF, s3  }
0xdb: {  	[tilespmem:s26+$0x0] =	vst v11;
	s0 =	sadd.s32 s0, s11;
	s6 =	sadd.s32 s19, s6;
	s30 =	sand.u32 $0xFFFFFFF0, s28  }
0xdc: {  	[tilespmem:s26+$0xFFFFFFF0] =	vst v10;
	s0 =	sadd.s32 s10, s0;
	s6 =	sadd.s32 s6, s30  }
0xdd: {  	s0 =	sadd.s32 s4, s0;
	[tilespmem:s7+$0x8000] =	vst v8;
	s25 =	sadd.s32 $0xF, s6  }
0xde: {  	s0 =	sadd.s32 s5, s0;
	[tilespmem:s3+$0x8000] =	vst v8;
	s26 =	sand.u32 $0xFFFFFFF0, s25  }
0xdf: {  	[tilespmem:s6+$0x8000] =	vst v8;
	s0 =	sadd.s32 s0, s26  }
0xe0: {  	s20 =	simm.s32 $0x0;
	[tilespmem:s0+$0x8000] =	vst v8  }
0xe1: {  	v9 =	vld [tilespmem:s20+$0x6000];
	_ =	sdelay $0x4  }
0xe2: {  	v10 =	vshrl.u32 v9, $0xF  }
0xe3: {  	v59 =	vld [tilespmem:s20+$0x4000];
	vm1 =	veq.s32 v10, v0  }
0xe4: {  	v11 =	vsub.s32 v10, v0;
	v10 =	vsel vm1, $0x1, v7  }
0xe5: {  	(xrf0) =	vadd.scan.msk.s32 $0xffff, v10  }
0xe6: {  	s21 =	simm.s32 $0x0  }
0xe7: {  	[tilespmem:s21+$0x8000] =	vst.msk vm1, v9  }
0xe8: {  	vm2 =	veq.s32 v11, $0x1;
	[tilespmem:s21+$0xA080] =	vst.msk vm1, v59  }
0xe9: {  	[tilespmem:s1+$0x8000] =	vst.msk vm2, v9  }
0xea: {  	v60 =	vsel vm2, $0x1, v7;
	vm1 =	veq.s32 v11, $0x2;
	[tilespmem:s1+$0xA080] =	vst.msk vm2, v59  }
0xeb: {  	(xrf0) =	vadd.scan.msk.s32 $0xffff, v60;
	[tilespmem:s30+$0x8000] =	vst.msk vm1, v9;
	v10, _, _ =	vpop (xrf0)  }
0xec: {  	vm2 =	veq.s32 v11, $0x3;
	[tilespmem:s30+$0xA080] =	vst.msk vm1, v59;
	(v2sf) =	vpush v10, $0xF  }
0xed: {  	[tilespmem:s26+$0x8000] =	vst.msk vm2, v9  }
0xee: {  	s22 =	simm.s32 $0x10;
	[tilespmem:s26+$0xA080] =	vst.msk vm2, v59  }
0xef: {  	v9 =	vld [tilespmem:s22+$0x6000];
	_ =	sdelay $0x1  }
0xf0: {  	v10, _, _ =	vpop (xrf0)  }
0xf1: {  	(v2sf) =	vpush v10, $0xF;
	v10 =	vsel vm2, $0x1, v7  }
0xf2: {  	v11 =	vsel vm1, $0x1, v7;
	(xrf0) =	vadd.scan.msk.s32 $0xffff, v10  }
0xf3: {  	(xrf0) =	vadd.scan.msk.s32 $0xffff, v11;
	v10 =	vshrl.u32 v9, $0xF  }
0xf4: {  	vm4 =	veq.s32 v10, v0  }
0xf5: {  	v11 =	vsub.s32 v10, v0;
	v10 =	vsel vm4, $0x1, v7;
	_ =	sdelay $0x2  }
0xf6: {  	(xrf0) =	vadd.scan.msk.s32 $0xffff, v10;
	v10, _, _ =	vpop (xrf0)  }
0xf7: {  	v62, _, _ =	vpop (xrf0);
	(v2sf) =	vpush v10, $0xF  }
0xf8: {  	s29 =	spop (v2sf);
	(v2sf) =	vpush v62, $0xF;
	_ =	sdelay $0x7  }
0xf9: {  	vm3 =	veq.s32 v11, $0x1  }
0xfa: {  	vm1 =	veq.s32 v11, $0x3;
	v61 =	vsel vm3, $0x1, v7  }
0xfb: {  	vm2 =	veq.s32 v11, $0x2;
	v11 =	vsel vm1, $0x1, v7;
	(xrf0) =	vadd.scan.msk.s32 $0xffff, v61;
	v10 =	vld [tilespmem:s22+$0x4000]  }
0xfc: {  	s5 =	smov.u32 s1;
	s4 =	smov.u32 s30;
	s6 =	simm.s32 $0x80;
	v63 =	vsel vm2, $0x1, v7;
	(xrf0) =	vadd.scan.msk.s32 $0xffff, v11  }
0xfd: {  	s3 =	smov.u32 s26;
	(xrf0) =	vadd.scan.msk.s32 $0xffff, v63;
	s0 =	sadd.s32 $0x0, s29;
	s7 =	spop (v2sf)  }
.LBB2_4:
0xfe: {  	p0 =	sne.s32 s6, $0x7FC0  }
0xff: {  	[tilespmem:s0+$0x8000] =	vst.msk vm4, v9;
	s8 =	spop (v2sf);
	s9 =	smov.u32 s6;
	s6 =	sadd.s32 $0x40, s6  }
0x100: {  	s5 =	sadd.s32 s5, s7;
	[tilespmem:s0+$0xA080] =	vst.msk vm4, v10;
	s3 =	sadd.s32 s3, s8;
	s7 =	spop (v2sf)  }
0x101: {  	[tilespmem:s5+$0x8000] =	vst.msk vm3, v9;
	v11, _, _ =	vpop (xrf0);
	s4 =	sadd.s32 s4, s7  }
0x102: {  	[tilespmem:s5+$0xA080] =	vst.msk vm3, v10;
	(v2sf) =	vpush v11, $0xF;
	v11, _, _ =	vpop (xrf0)  }
0x103: {  	[tilespmem:s4+$0x8000] =	vst.msk vm2, v9;
	(v2sf) =	vpush v11, $0xF;
	v11, _, _ =	vpop (xrf0)  }
0x104: {  	[tilespmem:s4+$0xA080] =	vst.msk vm2, v10;
	v12, _, _ =	vpop (xrf0);
	(v2sf) =	vpush v11, $0xF  }
0x105: {  	[tilespmem:s3+$0x8000] =	vst.msk vm1, v9;
	(v2sf) =	vpush v12, $0xF  }
0x106: {  	s7 =	sshra.s32 s9, $0x2;
	[tilespmem:s3+$0xA080] =	vst.msk vm1, v10  }
0x107: {  	v9 =	vld [tilespmem:s7+$0x6000];
	_ =	sdelay $0x4  }
0x108: {  	v10 =	vshrl.u32 v9, $0xF  }
0x109: {  	v11 =	vsub.s32 v10, v0;
	vm4 =	veq.s32 v10, v0  }
.Ltmp3:
0x10a: {  	v12 =	vsel vm4, $0x1, v7;
	vm3 =	veq.s32 v11, $0x1;
	vm2 =	veq.s32 v11, $0x2;
	(pc) =	sbr.rel @p0 .LBB2_4-.Ltmp3, $4  }
0x10b: {  	vm1 =	veq.s32 v11, $0x3;
	v10 =	vld [tilespmem:s7+$0x4000];
	v13 =	vsel vm3, $0x1, v7;
	v14 =	vsel vm2, $0x1, v7;
	(xrf0) =	vadd.scan.msk.s32 $0xffff, v12  }
0x10c: {  	v11 =	vsel vm1, $0x1, v7;
	(xrf0) =	vadd.scan.msk.s32 $0xffff, v13  }
0x10d: {  	(xrf0) =	vadd.scan.msk.s32 $0xffff, v11;
	s7 =	spop (v2sf)  }
0x10e: {  	(xrf0) =	vadd.scan.msk.s32 $0xffff, v14;
	s0 =	sadd.s32 s0, s7;
	s7 =	spop (v2sf)  }
0x10f: {  	_ =	sdelay $0x1  }
0x110: {  	v11, _, _ =	vpop (xrf0)  }
0x111: {  	(v2sf) =	vpush v11, $0xF;
	_ =	sdelay $0x2  }
0x112: {  	v11, _, _ =	vpop (xrf0)  }
0x113: {  	(v2sf) =	vpush v11, $0xF;
	v11, _, _ =	vpop (xrf0)  }
0x114: {  	(v2sf) =	vpush v11, $0xF;
	v11, _, _ =	vpop (xrf0)  }
0x115: {  	(v2sf) =	vpush v11, $0xF;
	_ =	sdelay $0x6  }
0x116: {  	s6 =	spop (v2sf)  }
0x117: {  	[tilespmem:s0+$0x8000] =	vst.msk vm4, v9;
	s18 =	spop (v2sf)  }
0x118: {  	s5 =	sadd.s32 s5, s7;
	[tilespmem:s0+$0xA080] =	vst.msk vm4, v10;
	s19 =	spop (v2sf)  }
0x119: {  	[tilespmem:s5+$0x8000] =	vst.msk vm3, v9;
	s21 =	sadd.s32 s0, s19  }
0x11a: {  	s4 =	sadd.s32 s4, s18;
	[tilespmem:s5+$0xA080] =	vst.msk vm3, v10;
	s0 =	sadd.s32 $0xF, s21  }
0x11b: {  	[tilespmem:s4+$0x8000] =	vst.msk vm2, v9;
	s19 =	sshrl.u32 s0, $0x4  }
0x11c: {  	s6 =	sadd.s32 s3, s6;
	[tilespmem:s4+$0xA080] =	vst.msk vm2, v10;
	s20 =	spop (v2sf);
	p0 =	seq.s32 s19, $0x0  }
.Ltmp4:
0x11d: {  	s10 =	simm.s32 $0x1;
	[tilespmem:s6+$0x8000] =	vst.msk vm1, v9;
	s8 =	spop (v2sf);
	(pc) =	sbr.rel @p0 .LBB2_17-.Ltmp4, $4  }
0x11e: {  	s11 =	simm.s32 $0x3;
	s12 =	simm.s32 $0x2;
	[tilespmem:s6+$0xA080] =	vst.msk vm1, v10;
	s22 =	spop (v2sf)  }
0x11f: {  	s18 =	simm.s32 $0xC100;
	s3 =	sadd.s32 s5, s20;
	_ =	swait.ge [sflag:s10], $0x8000  }
0x120: {  	s5 =	simm.s32 $0xA080;
	s29 =	sadd.s32 s6, s8;
	[sflag:s10] =	ssyncset.done $0x0  }
0x121: {  	s0 =	sadd.s32 s4, s22;
	s4 =	simm.s32 $0x8000;
	[sflag:s10] =	ssyncadd.s32 $0xFFFF8000  }
0x122: {  	p1 =	sne.s32 s19, $0x1  }
.Ltmp5:
0x123: {  	_ = 	snop;
	(pc) =	sbr.rel @!p1 .LBB2_7-.Ltmp5, $2  }
0x124: {  	_ =	sdelay $0x2  }
0x125: {  	v9 =	vld [tilespmem:s4+$0x0];
	s6 =	sadd.s32 $0xFFFFFFFF, s19;
	p0 =	por $0x0, $0x0  }
0x126: {  	_ =	sdelay $0x3  }
0x127: {  	v10 =	vshrl.u32 v9, $0x9  }
0x128: {  	v10 =	vsub.s32 v10, v1  }
0x129: {  	vm1 =	vlt.u32 v10, $0x40  }
0x12a: {  	v11 =	vshll.u32 v9, $0x3;
	v10 =	vnsel vm1, $0x0, v10  }
0x12b: {  	v9 =	vand.u32 $0x7F, v9;
	v11 =	vand.u32 $0xC00, v11;
	v12 =	vshll.u32 v10, $0x9  }
0x12c: {  	v9 =	vor.u32 v9, v11;
	v10 =	vshll.u32 v10, $0x7;
	v12 =	vand.u32 $0xFFFFF000, v12  }
0x12d: {  	v10 =	vand.u32 $0x380, v10;
	v9 =	vor.u32 v12, v9  }
0x12e: {  	v9 =	vor.u32 v10, v9;
	_ =	sdelay $0x4  }
0x12f: {  	v9 =	vld.idx.msk [tilespmem:v9+s15+$0x0], vm1;
	_ =	sdelay $0x1  }
0x130: {  	v10 =	vld [tilespmem:s5+$0x0];
	_ =	sdelay $0x2  }
0x131: {  	p2 =	sne.s32 s6, $0x1;
	v9 =	vmul.f32 $5.000000000e-01, v9  }
.Ltmp6:
0x132: {  	_ = 	snop;
	(pc) =	sbr.rel @!p2 .LBB2_9-.Ltmp6, $3  }
0x133: {  	v9 =	vadd.f32 v9, v10;
	_ =	sdelay $0x1  }
0x134: {  	s8 =	sadd.s32 $0x10, s4;
	s9 =	sadd.s32 $0xFFFFFFFF, s6;
	[tilespmem:s18+$0x0] =	vst v9  }
0x135: {  	p1 =	por $0x1, $0x1;
	s7 =	simm.s32 $0xA080;
	s6 =	simm.s32 $0xC100;
	v9 =	vld [tilespmem:s8+$0x0]  }
.LBB2_10:
0x136: {  	p2 =	sne.s32 s9, $0x1;
	_ =	sdelay $0x3  }
0x137: {  	v10 =	vshrl.u32 v9, $0x9  }
0x138: {  	v10 =	vsub.s32 v10, v1  }
0x139: {  	vm1 =	vlt.u32 v10, $0x40  }
0x13a: {  	v11 =	vshll.u32 v9, $0x3;
	v10 =	vnsel vm1, $0x0, v10  }
0x13b: {  	v9 =	vand.u32 $0x7F, v9;
	v11 =	vand.u32 $0xC00, v11;
	v12 =	vshll.u32 v10, $0x9  }
0x13c: {  	v9 =	vor.u32 v9, v11;
	v10 =	vshll.u32 v10, $0x7;
	v12 =	vand.u32 $0xFFFFF000, v12  }
0x13d: {  	v10 =	vand.u32 $0x380, v10;
	v9 =	vor.u32 v12, v9  }
0x13e: {  	v9 =	vor.u32 v10, v9;
	_ =	sdelay $0x4  }
0x13f: {  	v9 =	vld.idx.msk [tilespmem:v9+s15+$0x0], vm1;
	_ =	sdelay $0x1  }
0x140: {  	s7 =	sadd.s32 $0x10, s7  }
0x141: {  	v10 =	vld [tilespmem:s7+$0x0];
	_ =	sdelay $0x2  }
0x142: {  	v9 =	vmul.f32 $5.000000000e-01, v9  }
.Ltmp7:
0x143: {  	(pc) =	sbr.rel @p2 .LBB2_10-.Ltmp7, $4  }
0x144: {  	v9 =	vadd.f32 v9, v10  }
0x145: {  	s6 =	sadd.s32 $0x10, s6  }
0x146: {  	s8 =	sadd.s32 $0x10, s8;
	[tilespmem:s6+$0x0] =	vst v9  }
0x147: {  	s9 =	sadd.s32 $0xFFFFFFFF, s9;
	v9 =	vld [tilespmem:s8+$0x0]  }
.LBB2_11:
0x148: {  	_ =	sdelay $0x3  }
0x149: {  	v10 =	vshrl.u32 v9, $0x9  }
0x14a: {  	v10 =	vsub.s32 v10, v1  }
0x14b: {  	vm1 =	vlt.u32 v10, $0x40  }
0x14c: {  	v11 =	vshll.u32 v9, $0x3;
	v10 =	vnsel vm1, $0x0, v10  }
0x14d: {  	v9 =	vand.u32 $0x7F, v9;
	v11 =	vand.u32 $0xC00, v11;
	v12 =	vshll.u32 v10, $0x9  }
0x14e: {  	v9 =	vor.u32 v9, v11;
	v10 =	vshll.u32 v10, $0x7;
	v12 =	vand.u32 $0xFFFFF000, v12  }
0x14f: {  	v10 =	vand.u32 $0x380, v10;
	v9 =	vor.u32 v12, v9  }
0x150: {  	v9 =	vor.u32 v10, v9;
	_ =	sdelay $0x4  }
0x151: {  	s7 =	sadd.s32 @p1 $0x10, s7;
	v9 =	vld.idx.msk [tilespmem:v9+s15+$0x0], vm1  }
0x152: {  	s5 =	smov.u32 @p1 s7  }
0x153: {  	v10 =	vld [tilespmem:s5+$0x0];
	_ =	sdelay $0x1  }
0x154: {  	s5 =	sadd.s32 @p1 $0x10, s6;
	s6 =	simm.s32 $0xC100  }
0x155: {  	s6 =	smov.u32 @p1 s5;
	p1 =	sne.s32 s19, $0x1;
	v9 =	vmul.f32 $5.000000000e-01, v9  }
.Ltmp8:
0x156: {  	_ = 	snop;
	(pc) =	sbr.rel @!p1 .LBB2_12-.Ltmp8, $3  }
0x157: {  	v9 =	vadd.f32 v9, v10;
	_ =	sdelay $0x1  }
0x158: {  	[tilespmem:s6+$0x0] =	vst v9  }
0x159: {  	v9 =	vld [tilespmem:s4+$0x0];
	s4 =	sadd.s32 $0xFFFFFFFF, s19  }
0x15a: {  	_ =	sdelay $0x3  }
0x15b: {  	v10 =	vshrl.u32 v9, $0x9  }
0x15c: {  	v10 =	vsub.s32 v10, v1  }
0x15d: {  	vm1 =	vlt.u32 v10, $0x40  }
0x15e: {  	v11 =	vshll.u32 v9, $0x3;
	v10 =	vnsel vm1, $0x0, v10  }
0x15f: {  	v9 =	vand.u32 $0x7F, v9;
	v11 =	vand.u32 $0xC00, v11;
	v12 =	vshll.u32 v10, $0x9  }
0x160: {  	v9 =	vor.u32 v9, v11;
	v10 =	vshll.u32 v10, $0x7;
	v12 =	vand.u32 $0xFFFFF000, v12  }
0x161: {  	v10 =	vand.u32 $0x380, v10;
	v9 =	vor.u32 v12, v9  }
0x162: {  	v11 =	vld [tilespmem:s18+$0x0];
	v9 =	vor.u32 v10, v9  }
0x163: {  	p1 =	sne.s32 s4, $0x1  }
.Ltmp9:
0x164: {  	_ = 	snop;
	(pc) =	sbr.rel @!p1 .LBB2_14-.Ltmp9, $3  }
0x165: {  	_ =	sdelay $0x1  }
0x166: {  	s5 =	simm.s32 $0x8010;
	[tilespmem:v9+s15+$0x0] =	vst.idx.msk vm1, v11  }
0x167: {  	s6 =	sadd.s32 $0xFFFFFFFF, s4;
	p0 =	por $0x1, $0x1;
	s4 =	simm.s32 $0xC100;
	v9 =	vld [tilespmem:s5+$0x0]  }
.LBB2_15:
0x168: {  	p1 =	sne.s32 s6, $0x1;
	_ =	sdelay $0x3  }
0x169: {  	v10 =	vshrl.u32 v9, $0x9  }
0x16a: {  	v10 =	vsub.s32 v10, v1  }
0x16b: {  	vm1 =	vlt.u32 v10, $0x40  }
0x16c: {  	v11 =	vshll.u32 v9, $0x3;
	v10 =	vnsel vm1, $0x0, v10  }
0x16d: {  	v9 =	vand.u32 $0x7F, v9;
	v11 =	vand.u32 $0xC00, v11;
	v12 =	vshll.u32 v10, $0x9  }
0x16e: {  	v9 =	vor.u32 v9, v11;
	v10 =	vshll.u32 v10, $0x7;
	v12 =	vand.u32 $0xFFFFF000, v12  }
0x16f: {  	s4 =	sadd.s32 $0x10, s4;
	v10 =	vand.u32 $0x380, v10;
	v9 =	vor.u32 v12, v9  }
0x170: {  	v11 =	vld [tilespmem:s4+$0x0];
	v9 =	vor.u32 v10, v9;
	_ =	sdelay $0x1  }
.Ltmp10:
0x171: {  	(pc) =	sbr.rel @p1 .LBB2_15-.Ltmp10, $3  }
0x172: {  	_ =	sdelay $0x1  }
0x173: {  	s5 =	sadd.s32 $0x10, s5;
	[tilespmem:v9+s15+$0x0] =	vst.idx.msk vm1, v11  }
0x174: {  	s6 =	sadd.s32 $0xFFFFFFFF, s6;
	v9 =	vld [tilespmem:s5+$0x0]  }
.LBB2_16:
0x175: {  	_ =	sdelay $0x3  }
0x176: {  	v10 =	vshrl.u32 v9, $0x9  }
0x177: {  	v10 =	vsub.s32 v10, v1  }
0x178: {  	vm1 =	vlt.u32 v10, $0x40  }
0x179: {  	v11 =	vshll.u32 v9, $0x3;
	v10 =	vnsel vm1, $0x0, v10  }
0x17a: {  	v9 =	vand.u32 $0x7F, v9;
	v11 =	vand.u32 $0xC00, v11;
	v12 =	vshll.u32 v10, $0x9  }
0x17b: {  	s4 =	sadd.s32 @p0 $0x10, s4;
	v9 =	vor.u32 v9, v11;
	v10 =	vshll.u32 v10, $0x7;
	v12 =	vand.u32 $0xFFFFF000, v12  }
0x17c: {  	s18 =	smov.u32 @p0 s4;
	v10 =	vand.u32 $0x380, v10;
	v9 =	vor.u32 v12, v9  }
0x17d: {  	v11 =	vld [tilespmem:s18+$0x0];
	v9 =	vor.u32 v10, v9;
	_ =	sdelay $0x4  }
0x17e: {  	[tilespmem:v9+s15+$0x0] =	vst.idx.msk vm1, v11  }
.LBB2_17:
0x17f: {  	s4 =	rddreg [dreg:$0x9];
	s1 =	ssub.s32 s3, s1  }
0x180: {  	[hbm4b:s4+s2] =	stream.linear.scatter [tilespmem:s15], [sflag:$0x3], $0x8000, $0x38;
	[tilespmem:$0x1E180] =	vst v63  }
0x181: {  	s1 =	sadd.s32 $0xF, s1  }
0x182: {  	_ =	swait.ge [sflag:s11], $0x8000;
	s3 =	sshrl.u32 s1, $0x4  }
0x183: {  	[sflag:s11] =	ssyncset.done $0x0;
	p0 =	seq.s32 s3, $0x0  }
.Ltmp11:
0x184: {  	s22 =	rddreg [dreg:$0xa];
	[sflag:s11] =	ssyncadd.s32 $0xFFFF8000;
	(pc) =	sbr.rel @p0 .LBB2_28-.Ltmp11, $4  }
0x185: {  	[tilespmem:s15], [sflag:$0x1] =	stream.linear.gather [hbm4b:s22+s2], $0x8000, $0x38;
	[tilespmem:$0x1E180] =	vst v63  }
0x186: {  	_ =	swait.ge [sflag:s12], $0x8000  }
0x187: {  	[sflag:s12] =	ssyncset.done $0x0  }
0x188: {  	[sflag:s12] =	ssyncadd.s32 $0xFFFF8000  }
0x189: {  	p0 =	sne.s32 s3, $0x1  }
.Ltmp12:
0x18a: {  	_ = 	snop;
	(pc) =	sbr.rel @!p0 .LBB2_19-.Ltmp12, $3  }
0x18b: {  	_ =	sdelay $0x1  }
0x18c: {  	s1 =	sand.u32 $0xFFFFFFF0, s31  }
0x18d: {  	s3 =	sadd.s32 $0xFFFFFFFF, s3;
	p1 =	por $0x0, $0x0;
	p2 =	por $0x0, $0x0  }
0x18e: {  	v9 =	vld [tilespmem:s1+$0x8000];
	_ =	sdelay $0x4  }
0x18f: {  	p3 =	sne.s32 s3, $0x1;
	v10 =	vshrl.u32 v9, $0x9  }
.Ltmp13:
0x190: {  	v10 =	vsub.s32 v10, v2;
	(pc) =	sbr.rel @!p3 .LBB2_21-.Ltmp13, $4  }
0x191: {  	vm1 =	vlt.u32 v10, $0x40  }
0x192: {  	v11 =	vshll.u32 v9, $0x3;
	v10 =	vnsel vm1, $0x0, v10  }
0x193: {  	s5 =	sadd.s32 $0x10, s31;
	v9 =	vand.u32 $0x7F, v9;
	v13 =	vand.u32 $0xC00, v11;
	v12 =	vshll.u32 v10, $0x9  }
0x194: {  	s6 =	sadd.s32 $0xFFFFFFFF, s3;
	p1 =	por $0x1, $0x1;
	s4 =	sand.u32 $0xFFFFFFF0, s5;
	v13 =	vor.u32 v9, v13;
	v11 =	vand.u32 $0xFFFFF000, v12;
	v12 =	vshll.u32 v10, $0x7  }
0x195: {  	v10 =	vld [tilespmem:s4+$0x8000]  }
0x196: {  	v9 =	vand.u32 $0x380, v12;
	v11 =	vor.u32 v11, v13  }
0x197: {  	v9 =	vor.u32 v9, v11;
	_ =	sdelay $0x2  }
0x198: {  	p3 =	sne.s32 s6, $0x1;
	v11 =	vshrl.u32 v10, $0x9  }
.Ltmp14:
0x199: {  	v11 =	vsub.s32 v11, v2;
	(pc) =	sbr.rel @!p3 .LBB2_23-.Ltmp14, $4  }
0x19a: {  	v9 =	vld.idx.msk [tilespmem:v9+s16+$0x0], vm1;
	vm1 =	vlt.u32 v11, $0x40  }
0x19b: {  	v12 =	vnsel vm1, $0x0, v11;
	v11 =	vshll.u32 v10, $0x3  }
0x19c: {  	s7 =	sadd.s32 $0x10, s5;
	s8 =	sadd.s32 $0xFFFFFFFF, s6;
	v13 =	vand.u32 $0x7F, v10;
	v10 =	vld [tilespmem:s1+$0xA080];
	v14 =	vshll.u32 v12, $0x9;
	v15 =	vand.u32 $0xC00, v11  }
0x19d: {  	p2 =	por $0x1, $0x1;
	s6 =	smov.u32 s1;
	s5 =	sand.u32 $0xFFFFFFF0, s7;
	v12 =	vshll.u32 v12, $0x7;
	v11 =	vand.u32 $0xFFFFF000, v14;
	v13 =	vor.u32 v13, v15  }
.LBB2_24:
0x19e: {  	p3 =	sne.s32 s8, $0x1;
	v14 =	vld [tilespmem:s5+$0x8000];
	v12 =	vand.u32 $0x380, v12;
	v11 =	vor.u32 v11, v13  }
0x19f: {  	v9 =	vmul.f32 $5.000000000e-01, v9;
	v11 =	vor.u32 v12, v11;
	_ =	sdelay $0x1  }
0x1a0: {  	v9 =	vadd.f32 v9, v10;
	_ =	sdelay $0x1  }
0x1a1: {  	v10 =	vshrl.u32 v14, $0x9;
	[tilespmem:s6+$0xC100] =	vst v9;
	s6 =	smov.u32 s4;
	s4 =	smov.u32 s5  }
.Ltmp15:
0x1a2: {  	v10 =	vsub.s32 v10, v2;
	v9 =	vld.idx.msk [tilespmem:v11+s16+$0x0], vm1;
	(pc) =	sbr.rel @p3 .LBB2_24-.Ltmp15, $4  }
0x1a3: {  	vm1 =	vlt.u32 v10, $0x40  }
0x1a4: {  	v12 =	vnsel vm1, $0x0, v10;
	v10 =	vshll.u32 v14, $0x3  }
0x1a5: {  	s7 =	sadd.s32 $0x10, s7;
	v13 =	vand.u32 $0x7F, v14;
	v11 =	vshll.u32 v12, $0x9;
	v14 =	vand.u32 $0xC00, v10;
	v10 =	vld [tilespmem:s6+$0xA080]  }
0x1a6: {  	s8 =	sadd.s32 $0xFFFFFFFF, s8;
	s5 =	sand.u32 $0xFFFFFFF0, s7;
	v12 =	vshll.u32 v12, $0x7;
	v11 =	vand.u32 $0xFFFFF000, v11;
	v13 =	vor.u32 v13, v14  }
.LBB2_25:
0x1a7: {  	v14 =	vld [tilespmem:s5+$0x8000];
	v12 =	vand.u32 @p1 $0x380, v12;
	v11 =	vor.u32 @p1 v11, v13  }
0x1a8: {  	v9 =	vmul.f32 @p2 $5.000000000e-01, v9;
	v11 =	vor.u32 @p1 v12, v11;
	_ =	sdelay $0x1  }
0x1a9: {  	v9 =	vadd.f32 @p2 v9, v10;
	_ =	sdelay $0x1  }
0x1aa: {  	v10 =	vshrl.u32 v14, $0x9;
	[tilespmem:s6+$0xC100] =	vst @p2 v9  }
0x1ab: {  	v9 =	vsub.s32 v10, v2;
	v10 =	vld.idx.msk @p1 [tilespmem:v11+s16+$0x0], vm1  }
0x1ac: {  	vm1 =	vlt.u32 v9, $0x40  }
0x1ad: {  	v11 =	vshll.u32 v14, $0x3;
	v12 =	vld @p1 [tilespmem:s4+$0xA080];
	v9 =	vnsel vm1, $0x0, v9  }
0x1ae: {  	v62 =	vand.u32 $0x7F, v14;
	v11 =	vand.u32 $0xC00, v11;
	v63 =	vshll.u32 v9, $0x9  }
0x1af: {  	v11 =	vor.u32 v62, v11;
	v9 =	vshll.u32 v9, $0x7;
	v14 =	vand.u32 $0xFFFFF000, v63  }
0x1b0: {  	v9 =	vand.u32 $0x380, v9;
	v10 =	vpsel p1, v10, v0;
	v11 =	vor.u32 v14, v11  }
0x1b1: {  	v9 =	vor.u32 v9, v11;
	v10 =	vmul.f32 @p1 $5.000000000e-01, v10  }
0x1b2: {  	v11 =	vpsel p1, v12, v0  }
0x1b3: {  	v10 =	vadd.f32 @p1 v10, v11  }
0x1b4: {  	s4 =	smov.u32 @p1 s4  }
0x1b5: {  	[tilespmem:s4+$0xC100] =	vst @p1 v10  }
0x1b6: {  	v9 =	vld.idx.msk [tilespmem:v9+s16+$0x0], vm1;
	_ =	sdelay $0x1  }
0x1b7: {  	v10 =	vld [tilespmem:s5+$0xA080];
	_ =	sdelay $0x2  }
.Ltmp16:
0x1b8: {  	v9 =	vmul.f32 $5.000000000e-01, v9;
	(pc) =	sbr.rel @!p0 .LBB2_27-.Ltmp16, $3  }
0x1b9: {  	_ = 	snop  }
0x1ba: {  	v9 =	vadd.f32 v9, v10;
	_ =	sdelay $0x1  }
0x1bb: {  	[tilespmem:s5+$0xC100] =	vst v9  }
.LBB2_26:
0x1bc: {  	p0 =	sne.s32 s3, $0x1;
	v9 =	vld [tilespmem:s1+$0x8000];
	_ =	sdelay $0x4  }
0x1bd: {  	v10 =	vshrl.u32 v9, $0x9  }
0x1be: {  	v10 =	vsub.s32 v10, v2  }
0x1bf: {  	vm1 =	vlt.u32 v10, $0x40  }
0x1c0: {  	v11 =	vshll.u32 v9, $0x3;
	v10 =	vnsel vm1, $0x0, v10  }
0x1c1: {  	v9 =	vand.u32 $0x7F, v9;
	v11 =	vand.u32 $0xC00, v11;
	v12 =	vshll.u32 v10, $0x9  }
0x1c2: {  	v9 =	vor.u32 v9, v11;
	v10 =	vshll.u32 v10, $0x7;
	v12 =	vand.u32 $0xFFFFF000, v12  }
0x1c3: {  	v10 =	vand.u32 $0x380, v10;
	v9 =	vor.u32 v12, v9  }
0x1c4: {  	v11 =	vld [tilespmem:s1+$0xC100];
	v9 =	vor.u32 v10, v9  }
.Ltmp17:
0x1c5: {  	(pc) =	sbr.rel @p0 .LBB2_26-.Ltmp17, $3  }
0x1c6: {  	_ =	sdelay $0x1  }
0x1c7: {  	s31 =	sadd.s32 $0x10, s31  }
0x1c8: {  	s3 =	sadd.s32 $0xFFFFFFFF, s3;
	s1 =	sand.u32 $0xFFFFFFF0, s31;
	[tilespmem:v9+s16+$0x0] =	vst.idx.msk vm1, v11  }
.LBB2_27:
0x1c9: {  	v9 =	vld [tilespmem:s1+$0x8000];
	_ =	sdelay $0x4  }
0x1ca: {  	v10 =	vshrl.u32 v9, $0x9  }
0x1cb: {  	v10 =	vsub.s32 v10, v2  }
0x1cc: {  	vm1 =	vlt.u32 v10, $0x40  }
0x1cd: {  	v11 =	vshll.u32 v9, $0x3;
	v10 =	vnsel vm1, $0x0, v10  }
0x1ce: {  	v9 =	vand.u32 $0x7F, v9;
	v11 =	vand.u32 $0xC00, v11;
	v12 =	vshll.u32 v10, $0x9  }
0x1cf: {  	v9 =	vor.u32 v9, v11;
	v10 =	vshll.u32 v10, $0x7;
	v12 =	vand.u32 $0xFFFFF000, v12  }
0x1d0: {  	v10 =	vand.u32 $0x380, v10;
	v9 =	vor.u32 v12, v9  }
0x1d1: {  	v11 =	vld [tilespmem:s1+$0xC100];
	v9 =	vor.u32 v10, v9;
	_ =	sdelay $0x4  }
0x1d2: {  	[tilespmem:v9+s16+$0x0] =	vst.idx.msk vm1, v11  }
.LBB2_28:
0x1d3: {  	s1 =	rddreg [dreg:$0xb];
	s0 =	ssub.s32 s0, s30  }
0x1d4: {  	[hbm4b:s1+s2] =	stream.linear.scatter [tilespmem:s16], [sflag:$0x4], $0x8000, $0x38;
	[tilespmem:$0x1E180] =	vst v63  }
0x1d5: {  	s0 =	sadd.s32 $0xF, s0  }
0x1d6: {  	_ =	swait.ge [sflag:s23], $0x8000;
	s1 =	sshrl.u32 s0, $0x4  }
0x1d7: {  	[sflag:s23] =	ssyncset.done $0x0;
	p0 =	seq.s32 s1, $0x0  }
.Ltmp18:
0x1d8: {  	s31 =	rddreg [dreg:$0xc];
	[sflag:s23] =	ssyncadd.s32 $0xFFFF8000;
	(pc) =	sbr.rel @p0 .LBB2_39-.Ltmp18, $4  }
0x1d9: {  	[tilespmem:s16], [sflag:$0x2] =	stream.linear.gather [hbm4b:s31+s2], $0x8000, $0x38;
	[tilespmem:$0x1E180] =	vst v63  }
0x1da: {  	_ =	swait.ge [sflag:s10], $0x8000  }
0x1db: {  	[sflag:s10] =	ssyncset.done $0x0  }
0x1dc: {  	[sflag:s10] =	ssyncadd.s32 $0xFFFF8000  }
0x1dd: {  	p0 =	sne.s32 s1, $0x1  }
.Ltmp19:
0x1de: {  	_ = 	snop;
	(pc) =	sbr.rel @!p0 .LBB2_30-.Ltmp19, $3  }
0x1df: {  	_ =	sdelay $0x1  }
0x1e0: {  	s0 =	sand.u32 $0xFFFFFFF0, s28  }
0x1e1: {  	s1 =	sadd.s32 $0xFFFFFFFF, s1;
	p1 =	por $0x0, $0x0;
	p2 =	por $0x0, $0x0  }
0x1e2: {  	v9 =	vld [tilespmem:s0+$0x8000];
	_ =	sdelay $0x4  }
0x1e3: {  	p3 =	sne.s32 s1, $0x1;
	v10 =	vshrl.u32 v9, $0x9  }
.Ltmp20:
0x1e4: {  	v10 =	vsub.s32 v10, v3;
	(pc) =	sbr.rel @!p3 .LBB2_32-.Ltmp20, $4  }
0x1e5: {  	vm1 =	vlt.u32 v10, $0x40  }
0x1e6: {  	v11 =	vshll.u32 v9, $0x3;
	v10 =	vnsel vm1, $0x0, v10  }
0x1e7: {  	s4 =	sadd.s32 $0x10, s28;
	v9 =	vand.u32 $0x7F, v9;
	v13 =	vand.u32 $0xC00, v11;
	v12 =	vshll.u32 v10, $0x9  }
0x1e8: {  	s5 =	sadd.s32 $0xFFFFFFFF, s1;
	p1 =	por $0x1, $0x1;
	s3 =	sand.u32 $0xFFFFFFF0, s4;
	v13 =	vor.u32 v9, v13;
	v11 =	vand.u32 $0xFFFFF000, v12;
	v12 =	vshll.u32 v10, $0x7  }
0x1e9: {  	v10 =	vld [tilespmem:s3+$0x8000]  }
0x1ea: {  	v9 =	vand.u32 $0x380, v12;
	v11 =	vor.u32 v11, v13  }
0x1eb: {  	v9 =	vor.u32 v9, v11;
	_ =	sdelay $0x2  }
0x1ec: {  	p3 =	sne.s32 s5, $0x1;
	v11 =	vshrl.u32 v10, $0x9  }
.Ltmp21:
0x1ed: {  	v11 =	vsub.s32 v11, v3;
	(pc) =	sbr.rel @!p3 .LBB2_34-.Ltmp21, $4  }
0x1ee: {  	v9 =	vld.idx.msk [tilespmem:v9+s15+$0x0], vm1;
	vm1 =	vlt.u32 v11, $0x40  }
0x1ef: {  	v12 =	vnsel vm1, $0x0, v11;
	v11 =	vshll.u32 v10, $0x3  }
0x1f0: {  	s6 =	sadd.s32 $0x10, s4;
	s7 =	sadd.s32 $0xFFFFFFFF, s5;
	v13 =	vand.u32 $0x7F, v10;
	v10 =	vld [tilespmem:s0+$0xA080];
	v14 =	vshll.u32 v12, $0x9;
	v15 =	vand.u32 $0xC00, v11  }
0x1f1: {  	p2 =	por $0x1, $0x1;
	s5 =	smov.u32 s0;
	s4 =	sand.u32 $0xFFFFFFF0, s6;
	v12 =	vshll.u32 v12, $0x7;
	v11 =	vand.u32 $0xFFFFF000, v14;
	v13 =	vor.u32 v13, v15  }
.LBB2_35:
0x1f2: {  	p3 =	sne.s32 s7, $0x1;
	v14 =	vld [tilespmem:s4+$0x8000];
	v12 =	vand.u32 $0x380, v12;
	v11 =	vor.u32 v11, v13  }
0x1f3: {  	v9 =	vmul.f32 $5.000000000e-01, v9;
	v11 =	vor.u32 v12, v11;
	_ =	sdelay $0x1  }
0x1f4: {  	v9 =	vadd.f32 v9, v10;
	_ =	sdelay $0x1  }
0x1f5: {  	v10 =	vshrl.u32 v14, $0x9;
	[tilespmem:s5+$0xC100] =	vst v9;
	s5 =	smov.u32 s3;
	s3 =	smov.u32 s4  }
.Ltmp22:
0x1f6: {  	v10 =	vsub.s32 v10, v3;
	v9 =	vld.idx.msk [tilespmem:v11+s15+$0x0], vm1;
	(pc) =	sbr.rel @p3 .LBB2_35-.Ltmp22, $4  }
0x1f7: {  	vm1 =	vlt.u32 v10, $0x40  }
0x1f8: {  	v12 =	vnsel vm1, $0x0, v10;
	v10 =	vshll.u32 v14, $0x3  }
0x1f9: {  	s6 =	sadd.s32 $0x10, s6;
	v13 =	vand.u32 $0x7F, v14;
	v11 =	vshll.u32 v12, $0x9;
	v14 =	vand.u32 $0xC00, v10;
	v10 =	vld [tilespmem:s5+$0xA080]  }
0x1fa: {  	s7 =	sadd.s32 $0xFFFFFFFF, s7;
	s4 =	sand.u32 $0xFFFFFFF0, s6;
	v12 =	vshll.u32 v12, $0x7;
	v11 =	vand.u32 $0xFFFFF000, v11;
	v13 =	vor.u32 v13, v14  }
.LBB2_36:
0x1fb: {  	v14 =	vld [tilespmem:s4+$0x8000];
	v12 =	vand.u32 @p1 $0x380, v12;
	v11 =	vor.u32 @p1 v11, v13  }
0x1fc: {  	v9 =	vmul.f32 @p2 $5.000000000e-01, v9;
	v11 =	vor.u32 @p1 v12, v11;
	_ =	sdelay $0x1  }
0x1fd: {  	v9 =	vadd.f32 @p2 v9, v10;
	_ =	sdelay $0x1  }
0x1fe: {  	v10 =	vshrl.u32 v14, $0x9;
	[tilespmem:s5+$0xC100] =	vst @p2 v9  }
0x1ff: {  	v9 =	vsub.s32 v10, v3;
	v10 =	vld.idx.msk @p1 [tilespmem:v11+s15+$0x0], vm1  }
0x200: {  	vm1 =	vlt.u32 v9, $0x40  }
0x201: {  	v11 =	vshll.u32 v14, $0x3;
	v12 =	vld @p1 [tilespmem:s3+$0xA080];
	v9 =	vnsel vm1, $0x0, v9  }
0x202: {  	v62 =	vand.u32 $0x7F, v14;
	v11 =	vand.u32 $0xC00, v11;
	v63 =	vshll.u32 v9, $0x9  }
0x203: {  	v11 =	vor.u32 v62, v11;
	v9 =	vshll.u32 v9, $0x7;
	v14 =	vand.u32 $0xFFFFF000, v63  }
0x204: {  	v9 =	vand.u32 $0x380, v9;
	v10 =	vpsel p1, v10, v0;
	v11 =	vor.u32 v14, v11  }
0x205: {  	v9 =	vor.u32 v9, v11;
	v10 =	vmul.f32 @p1 $5.000000000e-01, v10  }
0x206: {  	v11 =	vpsel p1, v12, v0  }
0x207: {  	v10 =	vadd.f32 @p1 v10, v11  }
0x208: {  	s3 =	smov.u32 @p1 s3  }
0x209: {  	[tilespmem:s3+$0xC100] =	vst @p1 v10  }
0x20a: {  	v9 =	vld.idx.msk [tilespmem:v9+s15+$0x0], vm1;
	_ =	sdelay $0x1  }
0x20b: {  	v10 =	vld [tilespmem:s4+$0xA080];
	_ =	sdelay $0x2  }
.Ltmp23:
0x20c: {  	v9 =	vmul.f32 $5.000000000e-01, v9;
	(pc) =	sbr.rel @!p0 .LBB2_38-.Ltmp23, $3  }
0x20d: {  	_ = 	snop  }
0x20e: {  	v9 =	vadd.f32 v9, v10;
	_ =	sdelay $0x1  }
0x20f: {  	[tilespmem:s4+$0xC100] =	vst v9  }
.LBB2_37:
0x210: {  	p0 =	sne.s32 s1, $0x1;
	v9 =	vld [tilespmem:s0+$0x8000];
	_ =	sdelay $0x4  }
0x211: {  	v10 =	vshrl.u32 v9, $0x9  }
0x212: {  	v10 =	vsub.s32 v10, v3  }
0x213: {  	vm1 =	vlt.u32 v10, $0x40  }
0x214: {  	v11 =	vshll.u32 v9, $0x3;
	v10 =	vnsel vm1, $0x0, v10  }
0x215: {  	v9 =	vand.u32 $0x7F, v9;
	v11 =	vand.u32 $0xC00, v11;
	v12 =	vshll.u32 v10, $0x9  }
0x216: {  	v9 =	vor.u32 v9, v11;
	v10 =	vshll.u32 v10, $0x7;
	v12 =	vand.u32 $0xFFFFF000, v12  }
0x217: {  	v10 =	vand.u32 $0x380, v10;
	v9 =	vor.u32 v12, v9  }
0x218: {  	v11 =	vld [tilespmem:s0+$0xC100];
	v9 =	vor.u32 v10, v9  }
.Ltmp24:
0x219: {  	(pc) =	sbr.rel @p0 .LBB2_37-.Ltmp24, $3  }
0x21a: {  	_ =	sdelay $0x1  }
0x21b: {  	s28 =	sadd.s32 $0x10, s28  }
0x21c: {  	s1 =	sadd.s32 $0xFFFFFFFF, s1;
	s0 =	sand.u32 $0xFFFFFFF0, s28;
	[tilespmem:v9+s15+$0x0] =	vst.idx.msk vm1, v11  }
.LBB2_38:
0x21d: {  	v9 =	vld [tilespmem:s0+$0x8000];
	_ =	sdelay $0x4  }
0x21e: {  	v10 =	vshrl.u32 v9, $0x9  }
0x21f: {  	v10 =	vsub.s32 v10, v3  }
0x220: {  	vm1 =	vlt.u32 v10, $0x40  }
0x221: {  	v11 =	vshll.u32 v9, $0x3;
	v10 =	vnsel vm1, $0x0, v10  }
0x222: {  	v9 =	vand.u32 $0x7F, v9;
	v11 =	vand.u32 $0xC00, v11;
	v12 =	vshll.u32 v10, $0x9  }
0x223: {  	v9 =	vor.u32 v9, v11;
	v10 =	vshll.u32 v10, $0x7;
	v12 =	vand.u32 $0xFFFFF000, v12  }
0x224: {  	v10 =	vand.u32 $0x380, v10;
	v9 =	vor.u32 v12, v9  }
0x225: {  	v11 =	vld [tilespmem:s0+$0xC100];
	v9 =	vor.u32 v10, v9;
	_ =	sdelay $0x4  }
0x226: {  	[tilespmem:v9+s15+$0x0] =	vst.idx.msk vm1, v11  }
.LBB2_39:
0x227: {  	s0 =	ssub.s32 s29, s26  }
0x228: {  	s1 =	rddreg [dreg:$0xd];
	s0 =	sadd.s32 $0xF, s0  }
0x229: {  	[hbm4b:s1+s2] =	stream.linear.scatter [tilespmem:s15], [sflag:$0x3], $0x8000, $0x38;
	[tilespmem:$0x1E180] =	vst v63  }
0x22a: {  	s1 =	sshrl.u32 s0, $0x4  }
0x22b: {  	p0 =	seq.s32 s1, $0x0  }
.Ltmp25:
0x22c: {  	_ = 	snop;
	(pc) =	sbr.rel @p0 .LBB2_50-.Ltmp25, $4  }
0x22d: {  	_ = 	snop  }
0x22e: {  	_ =	swait.ge [sflag:s12], $0x8000  }
0x22f: {  	[sflag:s12] =	ssyncset.done $0x0  }
0x230: {  	[sflag:s12] =	ssyncadd.s32 $0xFFFF8000  }
0x231: {  	p0 =	sne.s32 s1, $0x1  }
.Ltmp26:
0x232: {  	_ = 	snop;
	(pc) =	sbr.rel @!p0 .LBB2_41-.Ltmp26, $3  }
0x233: {  	_ =	sdelay $0x1  }
0x234: {  	s0 =	sand.u32 $0xFFFFFFF0, s25  }
0x235: {  	s1 =	sadd.s32 $0xFFFFFFFF, s1;
	p1 =	por $0x0, $0x0;
	p2 =	por $0x0, $0x0  }
0x236: {  	v9 =	vld [tilespmem:s0+$0x8000];
	_ =	sdelay $0x4  }
0x237: {  	p3 =	sne.s32 s1, $0x1;
	v10 =	vshrl.u32 v9, $0x9  }
.Ltmp27:
0x238: {  	v10 =	vsub.s32 v10, v4;
	(pc) =	sbr.rel @!p3 .LBB2_43-.Ltmp27, $4  }
0x239: {  	vm1 =	vlt.u32 v10, $0x40  }
0x23a: {  	v11 =	vshll.u32 v9, $0x3;
	v10 =	vnsel vm1, $0x0, v10  }
0x23b: {  	s4 =	sadd.s32 $0x10, s25;
	v9 =	vand.u32 $0x7F, v9;
	v13 =	vand.u32 $0xC00, v11;
	v12 =	vshll.u32 v10, $0x9  }
0x23c: {  	s5 =	sadd.s32 $0xFFFFFFFF, s1;
	p1 =	por $0x1, $0x1;
	s3 =	sand.u32 $0xFFFFFFF0, s4;
	v13 =	vor.u32 v9, v13;
	v11 =	vand.u32 $0xFFFFF000, v12;
	v12 =	vshll.u32 v10, $0x7  }
0x23d: {  	v10 =	vld [tilespmem:s3+$0x8000]  }
0x23e: {  	v9 =	vand.u32 $0x380, v12;
	v11 =	vor.u32 v11, v13  }
0x23f: {  	v9 =	vor.u32 v9, v11;
	_ =	sdelay $0x2  }
0x240: {  	p3 =	sne.s32 s5, $0x1;
	v11 =	vshrl.u32 v10, $0x9  }
.Ltmp28:
0x241: {  	v11 =	vsub.s32 v11, v4;
	(pc) =	sbr.rel @!p3 .LBB2_45-.Ltmp28, $4  }
0x242: {  	v9 =	vld.idx.msk [tilespmem:v9+s16+$0x0], vm1;
	vm1 =	vlt.u32 v11, $0x40  }
0x243: {  	v12 =	vnsel vm1, $0x0, v11;
	v11 =	vshll.u32 v10, $0x3  }
0x244: {  	s6 =	sadd.s32 $0x10, s4;
	s7 =	sadd.s32 $0xFFFFFFFF, s5;
	v13 =	vand.u32 $0x7F, v10;
	v10 =	vld [tilespmem:s0+$0xA080];
	v14 =	vshll.u32 v12, $0x9;
	v15 =	vand.u32 $0xC00, v11  }
0x245: {  	p2 =	por $0x1, $0x1;
	s5 =	smov.u32 s0;
	s4 =	sand.u32 $0xFFFFFFF0, s6;
	v12 =	vshll.u32 v12, $0x7;
	v11 =	vand.u32 $0xFFFFF000, v14;
	v13 =	vor.u32 v13, v15  }
.LBB2_46:
0x246: {  	p3 =	sne.s32 s7, $0x1;
	v14 =	vld [tilespmem:s4+$0x8000];
	v12 =	vand.u32 $0x380, v12;
	v11 =	vor.u32 v11, v13  }
0x247: {  	v9 =	vmul.f32 $5.000000000e-01, v9;
	v11 =	vor.u32 v12, v11;
	_ =	sdelay $0x1  }
0x248: {  	v9 =	vadd.f32 v9, v10;
	_ =	sdelay $0x1  }
0x249: {  	v10 =	vshrl.u32 v14, $0x9;
	[tilespmem:s5+$0xC100] =	vst v9;
	s5 =	smov.u32 s3;
	s3 =	smov.u32 s4  }
.Ltmp29:
0x24a: {  	v10 =	vsub.s32 v10, v4;
	v9 =	vld.idx.msk [tilespmem:v11+s16+$0x0], vm1;
	(pc) =	sbr.rel @p3 .LBB2_46-.Ltmp29, $4  }
0x24b: {  	vm1 =	vlt.u32 v10, $0x40  }
0x24c: {  	v12 =	vnsel vm1, $0x0, v10;
	v10 =	vshll.u32 v14, $0x3  }
0x24d: {  	s6 =	sadd.s32 $0x10, s6;
	v13 =	vand.u32 $0x7F, v14;
	v11 =	vshll.u32 v12, $0x9;
	v14 =	vand.u32 $0xC00, v10;
	v10 =	vld [tilespmem:s5+$0xA080]  }
0x24e: {  	s7 =	sadd.s32 $0xFFFFFFFF, s7;
	s4 =	sand.u32 $0xFFFFFFF0, s6;
	v12 =	vshll.u32 v12, $0x7;
	v11 =	vand.u32 $0xFFFFF000, v11;
	v13 =	vor.u32 v13, v14  }
.LBB2_47:
0x24f: {  	v14 =	vld [tilespmem:s4+$0x8000];
	v12 =	vand.u32 @p1 $0x380, v12;
	v11 =	vor.u32 @p1 v11, v13  }
0x250: {  	v9 =	vmul.f32 @p2 $5.000000000e-01, v9;
	v11 =	vor.u32 @p1 v12, v11;
	_ =	sdelay $0x1  }
0x251: {  	v9 =	vadd.f32 @p2 v9, v10;
	_ =	sdelay $0x1  }
0x252: {  	v10 =	vshrl.u32 v14, $0x9;
	[tilespmem:s5+$0xC100] =	vst @p2 v9  }
0x253: {  	v9 =	vsub.s32 v10, v4;
	v10 =	vld.idx.msk @p1 [tilespmem:v11+s16+$0x0], vm1  }
0x254: {  	vm1 =	vlt.u32 v9, $0x40  }
0x255: {  	v11 =	vshll.u32 v14, $0x3;
	v12 =	vld @p1 [tilespmem:s3+$0xA080];
	v9 =	vnsel vm1, $0x0, v9  }
0x256: {  	v62 =	vand.u32 $0x7F, v14;
	v11 =	vand.u32 $0xC00, v11;
	v63 =	vshll.u32 v9, $0x9  }
0x257: {  	v11 =	vor.u32 v62, v11;
	v9 =	vshll.u32 v9, $0x7;
	v14 =	vand.u32 $0xFFFFF000, v63  }
0x258: {  	v9 =	vand.u32 $0x380, v9;
	v10 =	vpsel p1, v10, v0;
	v11 =	vor.u32 v14, v11  }
0x259: {  	v9 =	vor.u32 v9, v11;
	v10 =	vmul.f32 @p1 $5.000000000e-01, v10  }
0x25a: {  	v11 =	vpsel p1, v12, v0  }
0x25b: {  	v10 =	vadd.f32 @p1 v10, v11  }
0x25c: {  	s3 =	smov.u32 @p1 s3  }
0x25d: {  	[tilespmem:s3+$0xC100] =	vst @p1 v10  }
0x25e: {  	v9 =	vld.idx.msk [tilespmem:v9+s16+$0x0], vm1;
	_ =	sdelay $0x1  }
0x25f: {  	v10 =	vld [tilespmem:s4+$0xA080];
	_ =	sdelay $0x2  }
.Ltmp30:
0x260: {  	v9 =	vmul.f32 $5.000000000e-01, v9;
	(pc) =	sbr.rel @!p0 .LBB2_49-.Ltmp30, $3  }
0x261: {  	_ = 	snop  }
0x262: {  	v9 =	vadd.f32 v9, v10;
	_ =	sdelay $0x1  }
0x263: {  	[tilespmem:s4+$0xC100] =	vst v9  }
.LBB2_48:
0x264: {  	p0 =	sne.s32 s1, $0x1;
	v9 =	vld [tilespmem:s0+$0x8000];
	_ =	sdelay $0x4  }
0x265: {  	v10 =	vshrl.u32 v9, $0x9  }
0x266: {  	v10 =	vsub.s32 v10, v4  }
0x267: {  	vm1 =	vlt.u32 v10, $0x40  }
0x268: {  	v11 =	vshll.u32 v9, $0x3;
	v10 =	vnsel vm1, $0x0, v10  }
0x269: {  	v9 =	vand.u32 $0x7F, v9;
	v11 =	vand.u32 $0xC00, v11;
	v12 =	vshll.u32 v10, $0x9  }
0x26a: {  	v9 =	vor.u32 v9, v11;
	v10 =	vshll.u32 v10, $0x7;
	v12 =	vand.u32 $0xFFFFF000, v12  }
0x26b: {  	v10 =	vand.u32 $0x380, v10;
	v9 =	vor.u32 v12, v9  }
0x26c: {  	v11 =	vld [tilespmem:s0+$0xC100];
	v9 =	vor.u32 v10, v9  }
.Ltmp31:
0x26d: {  	(pc) =	sbr.rel @p0 .LBB2_48-.Ltmp31, $3  }
0x26e: {  	_ =	sdelay $0x1  }
0x26f: {  	s25 =	sadd.s32 $0x10, s25  }
0x270: {  	s1 =	sadd.s32 $0xFFFFFFFF, s1;
	s0 =	sand.u32 $0xFFFFFFF0, s25;
	[tilespmem:v9+s16+$0x0] =	vst.idx.msk vm1, v11  }
.Ltmp32:
0x271: {  	_ = 	snop;
	(pc) =	sbr.rel .LBB2_49-.Ltmp32, $1  }
0x272: {  	_ =	sdelay $0x3  }
.LBB2_7:
.Ltmp33:
0x273: {  	(pc) =	sbr.rel .LBB2_11-.Ltmp33, $2  }
0x274: {  	_ =	sdelay $0x2  }
0x275: {  	s7 =	simm.s32 $0xA080;
	s6 =	simm.s32 $0xC100;
	p1 =	por $0x0, $0x0  }
.LBB2_12:
.Ltmp34:
0x276: {  	(pc) =	sbr.rel .LBB2_16-.Ltmp34, $2  }
0x277: {  	_ =	sdelay $0x2  }
0x278: {  	s4 =	simm.s32 $0xC100  }
.LBB2_19:
.Ltmp35:
0x279: {  	(pc) =	sbr.rel .LBB2_25-.Ltmp35, $2  }
0x27a: {  	_ =	sdelay $0x2  }
0x27b: {  	s5 =	smov.u32 s1  }
.LBB2_30:
.Ltmp36:
0x27c: {  	(pc) =	sbr.rel .LBB2_36-.Ltmp36, $2  }
0x27d: {  	_ =	sdelay $0x2  }
0x27e: {  	s4 =	smov.u32 s0  }
.LBB2_41:
.Ltmp37:
0x27f: {  	(pc) =	sbr.rel .LBB2_47-.Ltmp37, $2  }
0x280: {  	_ =	sdelay $0x2  }
0x281: {  	s4 =	smov.u32 s0  }
.LBB2_9:
.Ltmp38:
0x282: {  	(pc) =	sbr.rel .LBB2_11-.Ltmp38, $2  }
0x283: {  	_ =	sdelay $0x2  }
0x284: {  	s7 =	simm.s32 $0xA080;
	s6 =	simm.s32 $0xC100  }
.LBB2_14:
.Ltmp39:
0x285: {  	(pc) =	sbr.rel .LBB2_16-.Ltmp39, $2  }
0x286: {  	_ =	sdelay $0x2  }
0x287: {  	s4 =	simm.s32 $0xC100  }
.LBB2_21:
.Ltmp40:
0x288: {  	(pc) =	sbr.rel .LBB2_25-.Ltmp40, $2  }
0x289: {  	_ =	sdelay $0x2  }
0x28a: {  	s5 =	smov.u32 s4;
	s4 =	smov.u32 s1  }
.LBB2_32:
.Ltmp41:
0x28b: {  	(pc) =	sbr.rel .LBB2_36-.Ltmp41, $2  }
0x28c: {  	_ =	sdelay $0x2  }
0x28d: {  	s4 =	smov.u32 s3;
	s3 =	smov.u32 s0  }
.LBB2_43:
.Ltmp42:
0x28e: {  	(pc) =	sbr.rel .LBB2_47-.Ltmp42, $2  }
0x28f: {  	_ =	sdelay $0x2  }
0x290: {  	s4 =	smov.u32 s3;
	s3 =	smov.u32 s0  }
.LBB2_23:
.Ltmp43:
0x291: {  	(pc) =	sbr.rel .LBB2_25-.Ltmp43, $2  }
0x292: {  	_ =	sdelay $0x2  }
0x293: {  	s6 =	smov.u32 s1  }
.LBB2_34:
.Ltmp44:
0x294: {  	(pc) =	sbr.rel .LBB2_36-.Ltmp44, $2  }
0x295: {  	_ =	sdelay $0x2  }
0x296: {  	s5 =	smov.u32 s0  }
.LBB2_45:
.Ltmp45:
0x297: {  	(pc) =	sbr.rel .LBB2_47-.Ltmp45, $2  }
0x298: {  	_ =	sdelay $0x2  }
0x299: {  	s5 =	smov.u32 s0  }
.LBB2_51:
0x29a: {  	_ =	sfence.sel $0x180000  }
0x29b: {  	[bflag:$0x0] =	sbarrier.arrive $0xFFFF  }
0x29c: {  	_ =	strace $0x90000047  }
0x29d: {  	s0 =	stileid.u32;
	[bflag:$0x2] =	sbarrier.arrive $0xFFFF  }
0x29e: {  	p0 =	sne.s32 s0, $0x0;
	s0 =	rddreg [dreg:$0x3]  }
0x29f: {  	s0 =	sadd.s32 @!p0 $0x100000, s0  }
0x2a0: {  	[sflag:s0] =	ssyncadd.tile.s32 @!p0 $0x1;
	_ =	shalt  }
.Lfunc_end2:
_tile_overlayer_lowered:
.L_overlay_start_2:
0x2a1: {  	(tag) =	ssettag $0x2  }
0x2a2: {  	s0 =	rddreg [dreg:$0x0];
	s2 =	stileid.u32  }
0x2a3: {  	s1 =	rddreg [dreg:$0x1];
	p0 =	sne.s32 s2, $0x0  }
0x2a4: {  	s3 =	rddreg [dreg:$0x2];
	[bflag:$0x3] =	sbarrier.arrive $0xFFFF;
	s2 =	simm.s32 @!p0 $0x1C05  }
0x2a5: {  	[timem:s3], [sflag:s2] =	dma.local @!p0 [hbm:s0], s1  }
0x2a6: {  	s0 =	simm.s32 @!p0 $0x5  }
0x2a7: {  	_ =	swait.ge @!p0 [sflag:s0], s1  }
0x2a8: {  	s1 =	ssub.s32 @!p0 $0x0, s1;
	[sflag:s0] =	ssyncset.done @!p0 $0x0  }
0x2a9: {  	[sflag:s0] =	ssyncadd.s32 @!p0 s1  }
0x2aa: {  	[bflag:$0x3] =	sbarrier.arrive $0xFFFF  }
0x2ab: {  	_ =	shalt  }

</sc_bundles>
